<compile_context>
chip_gen: v7x
topology: tpu7x:2x2x1
jax: 0.10.2.dev20260603
libtpu: 0.0.44.dev20260713+nightly
codegen_flags: <defaults>
</compile_context>

<pallas_src>
import functools

import jax
import jax.numpy as jnp
from jax import lax
from jax.experimental import pallas as pl
from jax.experimental.pallas import tpu as pltpu
from jax.experimental.pallas import tpu_sc as plsc

N = 10000
E = 320000
D = 128
DH = 64

NUM_CORES = 2
NUM_SUBCORES = 16
CHUNK = 128
NUM_CHUNKS = E // CHUNK
MAXC = NUM_CHUNKS // NUM_SUBCORES + 1
ROWS_PER_SUBCORE = N // NUM_SUBCORES
NBUF = 4
AHEAD = NBUF - 1


def _sc_aggregate(xs, src_both, dst2):

    @functools.partial(
        pl.kernel,
        out_type=(
            jax.ShapeDtypeStruct((NUM_CORES, N, DH), jnp.float32),
            jax.ShapeDtypeStruct((NUM_SUBCORES, N), jnp.float32),
        ),
        mesh=plsc.VectorSubcoreMesh(core_axis_name="c", subcore_axis_name="s"),
        scratch_types=[
            pltpu.VMEM((MAXC, CHUNK), jnp.int32),
            pltpu.VMEM((MAXC, CHUNK), jnp.int32),
            pltpu.VMEM((NBUF, CHUNK, DH), jnp.float32),
            pltpu.VMEM((N,), jnp.float32),
            pltpu.VMEM_SHARED((N, DH), jnp.float32),
            pltpu.SemaphoreType.DMA((NBUF,)),
            pltpu.SemaphoreType.DMA((NBUF,)),
        ],
        compiler_params=pltpu.CompilerParams(use_tc_tiling_on_sc=False,
                                             needs_layout_passes=False),
    )
    def body(xs_hbm, src_hbm, dst_hbm, out_hbm, hist_hbm,
             src_v, dst_v, rows, hist, accum, sem_g, sem_s):
        cid = lax.axis_index("c")
        sid = lax.axis_index("s")

        lo = sid * NUM_CHUNKS // NUM_SUBCORES
        hi = (sid + 1) * NUM_CHUNKS // NUM_SUBCORES
        n = hi - lo

        pltpu.sync_copy(src_hbm.at[cid, pl.ds(lo, MAXC)], src_v)
        pltpu.sync_copy(dst_hbm.at[pl.ds(lo, MAXC)], dst_v)

        def gather_start(c, b):
            pltpu.async_copy(xs_hbm.at[src_v.at[c]], rows.at[b], sem_g.at[b])

        def gather_wait(c, b):
            pltpu.make_async_copy(
                xs_hbm.at[src_v.at[c]], rows.at[b], sem_g.at[b]).wait()

        def scatter_start(c, b):
            pltpu.async_copy(rows.at[b], accum.at[dst_v.at[c]], sem_s.at[b],
                             add=True)

        def scatter_wait(c, b):
            pltpu.make_async_copy(
                rows.at[b], accum.at[dst_v.at[c]], sem_s.at[b]).wait()

        zvec = jnp.zeros((16,), jnp.float32)
        ones16 = jnp.ones((16,), jnp.float32)

        for k in range(AHEAD):
            gather_start(k, k)

        def hzero(q, carry):
            hist[pl.ds(q * 16, 16)] = zvec
            return carry

        lax.fori_loop(0, N // 16, hzero, 0)

        def zstore(q, carry):
            r = q // (DH // 16)
            col = q % (DH // 16)
            rows[AHEAD, r, pl.ds(col * 16, 16)] = zvec
            return carry

        lax.fori_loop(0, CHUNK * (DH // 16), zstore, 0)
        row0 = sid * ROWS_PER_SUBCORE
        for z in range(4):
            pltpu.sync_copy(rows.at[AHEAD].at[pl.ds(0, CHUNK)],
                            accum.at[pl.ds(row0 + z * CHUNK, CHUNK)])
        pltpu.sync_copy(
            rows.at[AHEAD].at[pl.ds(0, ROWS_PER_SUBCORE - 4 * CHUNK)],
            accum.at[pl.ds(row0 + 4 * CHUNK, ROWS_PER_SUBCORE - 4 * CHUNK)])

        plsc.subcore_barrier()

        def step(jj, carry):
            for b in range(NBUF):
                c = jj * NBUF + b

                @pl.when(c < n)
                def _():
                    cg = c + AHEAD
                    bg = (b + AHEAD) % NBUF

                    @pl.when(cg < n)
                    def _():
                        @pl.when(cg - NBUF >= 0)
                        def _():
                            scatter_wait(cg - NBUF, bg)
                        gather_start(cg, bg)

                    gather_wait(c, b)
                    scatter_start(c, b)

                    for k in range(CHUNK // 16):
                        idx = dst_v[c, pl.ds(k * 16, 16)]
                        plsc.addupdate_scatter(hist, [idx], ones16)

            return carry

        lax.fori_loop(0, (n + NBUF - 1) // NBUF, step, 0)

        for b in range(NBUF):
            scatter_wait(0, b)

        plsc.subcore_barrier()

        pltpu.sync_copy(
            accum.at[pl.ds(row0, ROWS_PER_SUBCORE)],
            out_hbm.at[cid, pl.ds(row0, ROWS_PER_SUBCORE)],
        )

        @pl.when(cid == 0)
        def _():
            pltpu.sync_copy(hist, hist_hbm.at[sid])

    return body(xs, src_both, dst2)


def _tc_self_body(x_ref, ws_ref, b_ref, out_ref):
    out_ref[...] = lax.dot_general(
        x_ref[...], ws_ref[...], (((1,), (1,)), ((), ())),
        preferred_element_type=jnp.float32) + b_ref[...]


def _tc_self(x, w_self, b_self):
    R = 2000
    return pl.pallas_call(
        _tc_self_body,
        grid=(N // R,),
        in_specs=[
            pl.BlockSpec((R, D), lambda i: (i, 0)),
            pl.BlockSpec((D, D), lambda i: (0, 0)),
            pl.BlockSpec((1, D), lambda i: (0, 0)),
        ],
        out_specs=pl.BlockSpec((R, D), lambda i: (i, 0)),
        out_shape=jax.ShapeDtypeStruct((N, D), jnp.float32),
    )(x, w_self, b_self)


def _tc_finish_body(partial_ref, hist_ref, hs_ref, wn_ref, out_ref):
    sums = jnp.concatenate([partial_ref[0], partial_ref[1]], axis=1)
    deg = jnp.sum(hist_ref[...], axis=1, keepdims=True)
    h = sums / jnp.maximum(deg, 1.0)
    hn = lax.dot_general(h, wn_ref[...], (((1,), (1,)), ((), ())),
                         preferred_element_type=jnp.float32)
    out_ref[...] = hn + hs_ref[...]


def _tc_finish(partial, hist, hs, w_neigh):
    R = 2000
    grid = (N // R,)
    return pl.pallas_call(
        _tc_finish_body,
        grid=grid,
        in_specs=[
            pl.BlockSpec((NUM_CORES, R, DH), lambda i: (0, i, 0)),
            pl.BlockSpec((R, NUM_SUBCORES), lambda i: (i, 0)),
            pl.BlockSpec((R, D), lambda i: (i, 0)),
            pl.BlockSpec((D, D), lambda i: (0, 0)),
        ],
        out_specs=pl.BlockSpec((R, D), lambda i: (i, 0)),
        out_shape=jax.ShapeDtypeStruct((N, D), jnp.float32),
    )(partial, hist, hs, w_neigh)


def kernel(x, edge_index, W_neigh, W_self, b_self):
    src2 = edge_index[0].reshape(NUM_CHUNKS, CHUNK)
    dst2 = edge_index[1].reshape(NUM_CHUNKS, CHUNK)
    src_both = jnp.stack([src2 * 2, src2 * 2 + 1])
    xs = x.reshape(NUM_CORES * N, DH)
    partial, hist = _sc_aggregate(xs, src_both, dst2)
    hs = _tc_self(x, W_self, b_self.reshape(1, D))
    return _tc_finish(partial, hist.T, hs, W_neigh)

# --- scband reference (transcript-rebuilt; emitter-appended) ---
"""Pipeline reference for scband-one-dir-sageconv-83408264888627 (READ-ONLY COPY).

The authoritative reference and input builder live on the scoring server;
editing this copy changes nothing except your own understanding.
"""

import jax, jax.numpy as jnp
import numpy as np

N = 10000
E = 320000
D_IN = 128
D_OUT = 128


def _xavier_uniform(key, shape, gain):
    fan_out, fan_in = shape
    bound = gain * np.sqrt(6.0 / (fan_in + fan_out))
    return jax.random.uniform(key, shape, minval=-bound, maxval=bound, dtype=jnp.float32)


def setup_inputs(seed: int = 0) -> dict:
    key = jax.random.key(seed)
    k1, k2, k3, k4 = jax.random.split(key, 4)
    x = jax.random.normal(k1, (N, D_IN), dtype=jnp.float32)
    edge_index = jax.random.randint(k2, (2, E), 0, N, dtype=jnp.int32)
    gain = np.sqrt(2.0)  # calculate_gain('relu')
    W_neigh = _xavier_uniform(k3, (D_OUT, D_IN), gain)
    W_self = _xavier_uniform(k4, (D_OUT, D_IN), gain)
    b_self = jnp.zeros((D_OUT,), dtype=jnp.float32)
    return {"x": x, "edge_index": edge_index, "W_neigh": W_neigh, "W_self": W_self, "b_self": b_self}


def reference(x, edge_index, W_neigh, W_self, b_self):
    # OneDirSAGEConv with aggregator_type='mean', feat_drop=0 (identity in eval),
    # no edge_weight, no norm/activation.
    src = edge_index[0]
    dst = edge_index[1]
    # lin_before_mp = in_feats > out_feats -> 128 > 128 is False, so aggregate raw feats first.
    msg = jnp.take(x, src, axis=0)  # gather: [E, D_IN]
    neigh_sum = jax.ops.segment_sum(msg, dst, num_segments=N)  # scatter-add
    deg = jax.ops.segment_sum(jnp.ones((E,), dtype=x.dtype), dst, num_segments=N)
    # dgl fn.mean gives 0 for zero-degree nodes; clamp denominator to 1
    h_neigh = neigh_sum / jnp.maximum(deg, 1.0)[:, None]
    h_neigh = h_neigh @ W_neigh.T  # fc_neigh (no bias)
    h_self = x  # feat_dst == feat_src for homogeneous graph
    rst = h_self @ W_self.T + b_self + h_neigh  # fc_self(h_self) + h_neigh
    return rst

if __name__ == "__main__":
    import jax
    _d = setup_inputs()
    print(jax.jit(kernel)(*tuple(_d.values())))

</pallas_src>

<mosaic_0001>
#map = affine_map<(d0, d1) -> (0, 0)>
#map1 = affine_map<(d0, d1) -> (0, 0, 0)>
module attributes {stable_mosaic.version = 14 : i64} {
  func.func @body(%arg0: i32, %arg1: i32, %arg2: memref<20000x64xf32, #tpu.memory_space<hbm>>, %arg3: memref<2x2500x128xi32, #tpu.memory_space<hbm>>, %arg4: memref<2500x128xi32, #tpu.memory_space<hbm>>, %arg5: memref<2x10000x64xf32, #tpu.memory_space<hbm>>, %arg6: memref<16x10000xf32, #tpu.memory_space<hbm>>, %arg7: memref<157x128xi32, #tpu.memory_space<vmem>>, %arg8: memref<157x128xi32, #tpu.memory_space<vmem>>, %arg9: memref<4x128x64xf32, #tpu.memory_space<vmem>>, %arg10: memref<10000xf32, #tpu.memory_space<vmem>>, %arg11: memref<10000x64xf32, #tpu.memory_space<vmem_shared>>, %arg12: memref<4x!tpu.dma_semaphore, #tpu.memory_space<semaphore_mem>>, %arg13: memref<4x!tpu.dma_semaphore, #tpu.memory_space<semaphore_mem>>) attributes {dimension_semantics = [#tpu.dimension_semantics<core_parallel>, #tpu.dimension_semantics<subcore_parallel>], iteration_bounds = array<i64: 2, 16>, scalar_prefetch = 0 : i64, scratch_operands = 7 : i64, tpu.core_type = #tpu.core_type<sc_vector_subcore>, window_params = [{transform_indices = #map}, {transform_indices = #map1}, {transform_indices = #map}, {transform_indices = #map1}, {transform_indices = #map}]} {
    %mul3A = arith.constant 2500 : i32
    %mul3A_0 = arith.muli %arg1, %mul3A : i32
    %jit3A = arith.constant 16 : i32
    %div3A = arith.divsi %mul3A_0, %jit3A : i32
    %sign3A = arith.constant 0 : i32
    %sign3A_1 = arith.cmpi sgt, %mul3A_0, %sign3A : i32
    %sign3A_2 = arith.extui %sign3A_1 : i1 to i32
    %sign3A_3 = arith.constant 0 : i32
    %sign3A_4 = arith.cmpi slt, %mul3A_0, %sign3A_3 : i32
    %sign3A_5 = arith.extui %sign3A_4 : i1 to i32
    %sign3A_6 = arith.subi %sign3A_2, %sign3A_5 : i32
    %sign3A_7 = arith.constant 0 : i32
    %sign3A_8 = arith.cmpi sgt, %jit3A, %sign3A_7 : i32
    %sign3A_9 = arith.extui %sign3A_8 : i1 to i32
    %sign3A_10 = arith.constant 0 : i32
    %sign3A_11 = arith.cmpi slt, %jit3A, %sign3A_10 : i32
    %sign3A_12 = arith.extui %sign3A_11 : i1 to i32
    %sign3A_13 = arith.subi %sign3A_9, %sign3A_12 : i32
    %ne3A = arith.cmpi ne, %sign3A_6, %sign3A_13 : i32
    %rem3A = arith.remsi %mul3A_0, %jit3A : i32
    %ne3A_14 = arith.constant 0 : i32
    %ne3A_15 = arith.cmpi ne, %rem3A, %ne3A_14 : i32
    %and3A = arith.andi %ne3A, %ne3A_15 : i1
    %sub3A = arith.constant 1 : i32
    %sub3A_16 = arith.subi %div3A, %sub3A : i32
    %select_n3A = arith.select %and3A, %sub3A_16, %div3A : i32
    %add3A = arith.constant 1 : i32
    %add3A_17 = arith.addi %arg1, %add3A : i32
    %mul3A_18 = arith.constant 2500 : i32
    %mul3A_19 = arith.muli %add3A_17, %mul3A_18 : i32
    %jit3A_20 = arith.constant 16 : i32
    %div3A_21 = arith.divsi %mul3A_19, %jit3A_20 : i32
    %sign3A_22 = arith.constant 0 : i32
    %sign3A_23 = arith.cmpi sgt, %mul3A_19, %sign3A_22 : i32
    %sign3A_24 = arith.extui %sign3A_23 : i1 to i32
    %sign3A_25 = arith.constant 0 : i32
    %sign3A_26 = arith.cmpi slt, %mul3A_19, %sign3A_25 : i32
    %sign3A_27 = arith.extui %sign3A_26 : i1 to i32
    %sign3A_28 = arith.subi %sign3A_24, %sign3A_27 : i32
    %sign3A_29 = arith.constant 0 : i32
    %sign3A_30 = arith.cmpi sgt, %jit3A_20, %sign3A_29 : i32
    %sign3A_31 = arith.extui %sign3A_30 : i1 to i32
    %sign3A_32 = arith.constant 0 : i32
    %sign3A_33 = arith.cmpi slt, %jit3A_20, %sign3A_32 : i32
    %sign3A_34 = arith.extui %sign3A_33 : i1 to i32
    %sign3A_35 = arith.subi %sign3A_31, %sign3A_34 : i32
    %ne3A_36 = arith.cmpi ne, %sign3A_28, %sign3A_35 : i32
    %rem3A_37 = arith.remsi %mul3A_19, %jit3A_20 : i32
    %ne3A_38 = arith.constant 0 : i32
    %ne3A_39 = arith.cmpi ne, %rem3A_37, %ne3A_38 : i32
    %and3A_40 = arith.andi %ne3A_36, %ne3A_39 : i1
    %sub3A_41 = arith.constant 1 : i32
    %sub3A_42 = arith.subi %div3A_21, %sub3A_41 : i32
    %select_n3A_43 = arith.select %and3A_40, %sub3A_42, %div3A_21 : i32
    %sub3A_44 = arith.subi %select_n3A_43, %select_n3A : i32
    "tpu.region"() ({
      %run_scoped3A_218 = tpu.sem_alloc : memref<!tpu.dma_semaphore, #tpu.memory_space<semaphore_mem>>
      %dma_start3A_219 = arith.constant 0 : i32
      %dma_start3A_220 = tpu.memref_slice %arg3[%arg0, %select_n3A, %dma_start3A_219] : memref<2x2500x128xi32, #tpu.memory_space<hbm>> -> memref<1x157x128xi32, #tpu.memory_space<hbm>>
      %dma_start3A_221 = tpu.memref_squeeze %dma_start3A_220 : memref<1x157x128xi32, #tpu.memory_space<hbm>> -> memref<157x128xi32, #tpu.memory_space<hbm>>
      %dma_start3A_222 = arith.constant 0 : i32
      %dma_start3A_223 = tpu.memref_slice %arg3[%arg0, %select_n3A, %dma_start3A_222] : memref<2x2500x128xi32, #tpu.memory_space<hbm>> -> memref<1x157x128xi32, #tpu.memory_space<hbm>>
      %dma_start3A_224 = tpu.memref_squeeze %dma_start3A_223 : memref<1x157x128xi32, #tpu.memory_space<hbm>> -> memref<157x128xi32, #tpu.memory_space<hbm>>
      tpu.enqueue_dma source(%dma_start3A_224 : memref<157x128xi32, #tpu.memory_space<hbm>>) target(%arg7 : memref<157x128xi32, #tpu.memory_space<vmem>>) target_semaphore(%run_scoped3A_218 : memref<!tpu.dma_semaphore, #tpu.memory_space<semaphore_mem>>)
      %dma_wait3A_225 = arith.constant 0 : i32
      %dma_wait3A_226 = tpu.memref_slice %arg3[%arg0, %select_n3A, %dma_wait3A_225] : memref<2x2500x128xi32, #tpu.memory_space<hbm>> -> memref<1x157x128xi32, #tpu.memory_space<hbm>>
      %dma_wait3A_227 = tpu.memref_squeeze %dma_wait3A_226 : memref<1x157x128xi32, #tpu.memory_space<hbm>> -> memref<157x128xi32, #tpu.memory_space<hbm>>
      %dma_wait3A_228 = arith.constant 0 : i32
      %dma_wait3A_229 = tpu.memref_slice %arg3[%arg0, %select_n3A, %dma_wait3A_228] : memref<2x2500x128xi32, #tpu.memory_space<hbm>> -> memref<1x157x128xi32, #tpu.memory_space<hbm>>
      %dma_wait3A_230 = tpu.memref_squeeze %dma_wait3A_229 : memref<1x157x128xi32, #tpu.memory_space<hbm>> -> memref<157x128xi32, #tpu.memory_space<hbm>>
      tpu.wait_dma2 semaphore(%run_scoped3A_218 : memref<!tpu.dma_semaphore, #tpu.memory_space<semaphore_mem>>) src(%dma_wait3A_230 : memref<157x128xi32, #tpu.memory_space<hbm>>) dst(%arg7 : memref<157x128xi32, #tpu.memory_space<vmem>>)
      tpu.yield
    }) : () -> ()
    "tpu.region"() ({
      %run_scoped3A_218 = tpu.sem_alloc : memref<!tpu.dma_semaphore, #tpu.memory_space<semaphore_mem>>
      %dma_start3A_219 = arith.constant 0 : i32
      %dma_start3A_220 = tpu.memref_slice %arg4[%select_n3A, %dma_start3A_219] : memref<2500x128xi32, #tpu.memory_space<hbm>> -> memref<157x128xi32, #tpu.memory_space<hbm>>
      %dma_start3A_221 = arith.constant 0 : i32
      %dma_start3A_222 = tpu.memref_slice %arg4[%select_n3A, %dma_start3A_221] : memref<2500x128xi32, #tpu.memory_space<hbm>> -> memref<157x128xi32, #tpu.memory_space<hbm>>
      tpu.enqueue_dma source(%dma_start3A_222 : memref<157x128xi32, #tpu.memory_space<hbm>>) target(%arg8 : memref<157x128xi32, #tpu.memory_space<vmem>>) target_semaphore(%run_scoped3A_218 : memref<!tpu.dma_semaphore, #tpu.memory_space<semaphore_mem>>)
      %dma_wait3A_223 = arith.constant 0 : i32
      %dma_wait3A_224 = tpu.memref_slice %arg4[%select_n3A, %dma_wait3A_223] : memref<2500x128xi32, #tpu.memory_space<hbm>> -> memref<157x128xi32, #tpu.memory_space<hbm>>
      %dma_wait3A_225 = arith.constant 0 : i32
      %dma_wait3A_226 = tpu.memref_slice %arg4[%select_n3A, %dma_wait3A_225] : memref<2500x128xi32, #tpu.memory_space<hbm>> -> memref<157x128xi32, #tpu.memory_space<hbm>>
      tpu.wait_dma2 semaphore(%run_scoped3A_218 : memref<!tpu.dma_semaphore, #tpu.memory_space<semaphore_mem>>) src(%dma_wait3A_226 : memref<157x128xi32, #tpu.memory_space<hbm>>) dst(%arg8 : memref<157x128xi32, #tpu.memory_space<vmem>>)
      tpu.yield
    }) : () -> ()
    %broadcast_in_dim3A = arith.constant 0.000000e+00 : f32
    %broadcast_in_dim3A_45 = vector.broadcast %broadcast_in_dim3A : f32 to vector<16xf32>
    %broadcast_in_dim3A_46 = arith.constant 1.000000e+00 : f32
    %broadcast_in_dim3A_47 = vector.broadcast %broadcast_in_dim3A_46 : f32 to vector<16xf32>
    %dma_start3A = arith.constant 0 : i32
    %dma_start3A_48 = arith.constant 0 : i32
    %dma_start3A_49 = arith.constant 0 : i32
    %dma_start3A_50 = arith.constant 0 : i32
    %dma_start3A_51 = arith.constant 0 : i32
    %dma_start3A_52 = tpu.memref_slice %arg9[%dma_start3A_48, %dma_start3A_50, %dma_start3A_51] : memref<4x128x64xf32, #tpu.memory_space<vmem>> -> memref<1x128x64xf32, #tpu.memory_space<vmem>>
    %dma_start3A_53 = tpu.memref_squeeze %dma_start3A_52 : memref<1x128x64xf32, #tpu.memory_space<vmem>> -> memref<128x64xf32, #tpu.memory_space<vmem>>
    %dma_start3A_54 = arith.constant 0 : i32
    %dma_start3A_55 = tpu.memref_slice %arg7[%dma_start3A, %dma_start3A_54] : memref<157x128xi32, #tpu.memory_space<vmem>> -> memref<1x128xi32, #tpu.memory_space<vmem>>
    %dma_start3A_56 = tpu.memref_squeeze %dma_start3A_55 : memref<1x128xi32, #tpu.memory_space<vmem>> -> memref<128xi32, #tpu.memory_space<vmem>>
    %dma_start3A_57 = arith.constant 0 : i32
    %dma_start3A_58 = arith.constant 0 : i32
    %dma_start3A_59 = tpu.memref_slice %arg2[%dma_start3A_57, %dma_start3A_58] : memref<20000x64xf32, #tpu.memory_space<hbm>> -> memref<20000x64xf32, #tpu.memory_space<hbm>>
    %dma_start3A_60 = tpu.memref_slice %arg12[%dma_start3A_49] : memref<4x!tpu.dma_semaphore, #tpu.memory_space<semaphore_mem>> -> memref<1x!tpu.dma_semaphore, #tpu.memory_space<semaphore_mem>>
    %dma_start3A_61 = tpu.memref_squeeze %dma_start3A_60 : memref<1x!tpu.dma_semaphore, #tpu.memory_space<semaphore_mem>> -> memref<!tpu.dma_semaphore, #tpu.memory_space<semaphore_mem>>
    tpu.enqueue_indirect_dma source(%dma_start3A_59 : memref<20000x64xf32, #tpu.memory_space<hbm>>) target(%dma_start3A_53 : memref<128x64xf32, #tpu.memory_space<vmem>>) offsets(%dma_start3A_56 : memref<128xi32, #tpu.memory_space<vmem>>) semaphore(%dma_start3A_61 : memref<!tpu.dma_semaphore, #tpu.memory_space<semaphore_mem>>)
    %dma_start3A_62 = arith.constant 1 : i32
    %dma_start3A_63 = arith.constant 1 : i32
    %dma_start3A_64 = arith.constant 1 : i32
    %dma_start3A_65 = arith.constant 0 : i32
    %dma_start3A_66 = arith.constant 0 : i32
    %dma_start3A_67 = tpu.memref_slice %arg9[%dma_start3A_63, %dma_start3A_65, %dma_start3A_66] : memref<4x128x64xf32, #tpu.memory_space<vmem>> -> memref<1x128x64xf32, #tpu.memory_space<vmem>>
    %dma_start3A_68 = tpu.memref_squeeze %dma_start3A_67 : memref<1x128x64xf32, #tpu.memory_space<vmem>> -> memref<128x64xf32, #tpu.memory_space<vmem>>
    %dma_start3A_69 = arith.constant 0 : i32
    %dma_start3A_70 = tpu.memref_slice %arg7[%dma_start3A_62, %dma_start3A_69] : memref<157x128xi32, #tpu.memory_space<vmem>> -> memref<1x128xi32, #tpu.memory_space<vmem>>
    %dma_start3A_71 = tpu.memref_squeeze %dma_start3A_70 : memref<1x128xi32, #tpu.memory_space<vmem>> -> memref<128xi32, #tpu.memory_space<vmem>>
    %dma_start3A_72 = arith.constant 0 : i32
    %dma_start3A_73 = arith.constant 0 : i32
    %dma_start3A_74 = tpu.memref_slice %arg2[%dma_start3A_72, %dma_start3A_73] : memref<20000x64xf32, #tpu.memory_space<hbm>> -> memref<20000x64xf32, #tpu.memory_space<hbm>>
    %dma_start3A_75 = tpu.memref_slice %arg12[%dma_start3A_64] : memref<4x!tpu.dma_semaphore, #tpu.memory_space<semaphore_mem>> -> memref<1x!tpu.dma_semaphore, #tpu.memory_space<semaphore_mem>>
    %dma_start3A_76 = tpu.memref_squeeze %dma_start3A_75 : memref<1x!tpu.dma_semaphore, #tpu.memory_space<semaphore_mem>> -> memref<!tpu.dma_semaphore, #tpu.memory_space<semaphore_mem>>
    tpu.enqueue_indirect_dma source(%dma_start3A_74 : memref<20000x64xf32, #tpu.memory_space<hbm>>) target(%dma_start3A_68 : memref<128x64xf32, #tpu.memory_space<vmem>>) offsets(%dma_start3A_71 : memref<128xi32, #tpu.memory_space<vmem>>) semaphore(%dma_start3A_76 : memref<!tpu.dma_semaphore, #tpu.memory_space<semaphore_mem>>)
    %dma_start3A_77 = arith.constant 2 : i32
    %dma_start3A_78 = arith.constant 2 : i32
    %dma_start3A_79 = arith.constant 2 : i32
    %dma_start3A_80 = arith.constant 0 : i32
    %dma_start3A_81 = arith.constant 0 : i32
    %dma_start3A_82 = tpu.memref_slice %arg9[%dma_start3A_78, %dma_start3A_80, %dma_start3A_81] : memref<4x128x64xf32, #tpu.memory_space<vmem>> -> memref<1x128x64xf32, #tpu.memory_space<vmem>>
    %dma_start3A_83 = tpu.memref_squeeze %dma_start3A_82 : memref<1x128x64xf32, #tpu.memory_space<vmem>> -> memref<128x64xf32, #tpu.memory_space<vmem>>
    %dma_start3A_84 = arith.constant 0 : i32
    %dma_start3A_85 = tpu.memref_slice %arg7[%dma_start3A_77, %dma_start3A_84] : memref<157x128xi32, #tpu.memory_space<vmem>> -> memref<1x128xi32, #tpu.memory_space<vmem>>
    %dma_start3A_86 = tpu.memref_squeeze %dma_start3A_85 : memref<1x128xi32, #tpu.memory_space<vmem>> -> memref<128xi32, #tpu.memory_space<vmem>>
    %dma_start3A_87 = arith.constant 0 : i32
    %dma_start3A_88 = arith.constant 0 : i32
    %dma_start3A_89 = tpu.memref_slice %arg2[%dma_start3A_87, %dma_start3A_88] : memref<20000x64xf32, #tpu.memory_space<hbm>> -> memref<20000x64xf32, #tpu.memory_space<hbm>>
    %dma_start3A_90 = tpu.memref_slice %arg12[%dma_start3A_79] : memref<4x!tpu.dma_semaphore, #tpu.memory_space<semaphore_mem>> -> memref<1x!tpu.dma_semaphore, #tpu.memory_space<semaphore_mem>>
    %dma_start3A_91 = tpu.memref_squeeze %dma_start3A_90 : memref<1x!tpu.dma_semaphore, #tpu.memory_space<semaphore_mem>> -> memref<!tpu.dma_semaphore, #tpu.memory_space<semaphore_mem>>
    tpu.enqueue_indirect_dma source(%dma_start3A_89 : memref<20000x64xf32, #tpu.memory_space<hbm>>) target(%dma_start3A_83 : memref<128x64xf32, #tpu.memory_space<vmem>>) offsets(%dma_start3A_86 : memref<128xi32, #tpu.memory_space<vmem>>) semaphore(%dma_start3A_91 : memref<!tpu.dma_semaphore, #tpu.memory_space<semaphore_mem>>)
    %scan3A = arith.constant 0 : i32
    %scan3A_92 = arith.constant 0 : i32
    %scan3A_93 = arith.constant 625 : i32
    %scan3A_94 = arith.addi %scan3A_92, %scan3A_93 : i32
    %scan3A_95 = arith.constant 1 : i32
    scf.for %scan3A_218 = %scan3A_92 to %scan3A_94 step %scan3A_95  : i32 {
      %mul3A_219 = arith.constant 16 : i32
      %mul3A_220 = arith.muli %scan3A_218, %mul3A_219 : i32
      %swap3A = arith.index_cast %mul3A_220 : i32 to index
      %swap3A_221 = tpu.vector_load %arg10[%swap3A] {strides = array<i32>} : memref<10000xf32, #tpu.memory_space<vmem>>, vector<16xf32>,
      tpu.vector_store %arg10[%swap3A], %broadcast_in_dim3A_45 {strides = array<i32>} : memref<10000xf32, #tpu.memory_space<vmem>>, vector<16xf32>,
    }
    %scan3A_96 = arith.constant 625 : i32
    %scan3A_97 = arith.constant 0 : i32
    %scan3A_98 = arith.constant 0 : i32
    %scan3A_99 = arith.constant 512 : i32
    %scan3A_100 = arith.addi %scan3A_98, %scan3A_99 : i32
    %scan3A_101 = arith.constant 1 : i32
    scf.for %scan3A_218 = %scan3A_98 to %scan3A_100 step %scan3A_101  : i32 {
      %jit3A_219 = arith.constant 4 : i32
      %div3A_220 = arith.divsi %scan3A_218, %jit3A_219 : i32
      %sign3A_221 = arith.constant 0 : i32
      %sign3A_222 = arith.cmpi sgt, %scan3A_218, %sign3A_221 : i32
      %sign3A_223 = arith.extui %sign3A_222 : i1 to i32
      %sign3A_224 = arith.constant 0 : i32
      %sign3A_225 = arith.cmpi slt, %scan3A_218, %sign3A_224 : i32
      %sign3A_226 = arith.extui %sign3A_225 : i1 to i32
      %sign3A_227 = arith.subi %sign3A_223, %sign3A_226 : i32
      %sign3A_228 = arith.constant 0 : i32
      %sign3A_229 = arith.cmpi sgt, %jit3A_219, %sign3A_228 : i32
      %sign3A_230 = arith.extui %sign3A_229 : i1 to i32
      %sign3A_231 = arith.constant 0 : i32
      %sign3A_232 = arith.cmpi slt, %jit3A_219, %sign3A_231 : i32
      %sign3A_233 = arith.extui %sign3A_232 : i1 to i32
      %sign3A_234 = arith.subi %sign3A_230, %sign3A_233 : i32
      %ne3A_235 = arith.cmpi ne, %sign3A_227, %sign3A_234 : i32
      %rem3A_236 = arith.remsi %scan3A_218, %jit3A_219 : i32
      %ne3A_237 = arith.constant 0 : i32
      %ne3A_238 = arith.cmpi ne, %rem3A_236, %ne3A_237 : i32
      %and3A_239 = arith.andi %ne3A_235, %ne3A_238 : i1
      %sub3A_240 = arith.constant 1 : i32
      %sub3A_241 = arith.subi %div3A_220, %sub3A_240 : i32
      %select_n3A_242 = arith.select %and3A_239, %sub3A_241, %div3A_220 : i32
      %jit3A_243 = arith.constant 4 : i32
      %eq3A_244 = arith.constant 0 : i32
      %eq3A_245 = arith.cmpi eq, %jit3A_243, %eq3A_244 : i32
      %jit3A_246 = arith.constant 1 : i32
      %select_n3A_247 = arith.select %eq3A_245, %jit3A_246, %jit3A_243 : i32
      %rem3A_248 = arith.remsi %scan3A_218, %select_n3A_247 : i32
      %ne3A_249 = arith.constant 0 : i32
      %ne3A_250 = arith.cmpi ne, %rem3A_248, %ne3A_249 : i32
      %lt3A = arith.constant 0 : i32
      %lt3A_251 = arith.cmpi slt, %rem3A_248, %lt3A : i32
      %lt3A_252 = arith.constant 0 : i32
      %lt3A_253 = arith.cmpi slt, %select_n3A_247, %lt3A_252 : i32
      %ne3A_254 = arith.xori %lt3A_251, %lt3A_253 : i1
      %and3A_255 = arith.andi %ne3A_254, %ne3A_250 : i1
      %add3A_256 = arith.addi %rem3A_248, %select_n3A_247 : i32
      %select_n3A_257 = arith.select %and3A_255, %add3A_256, %rem3A_248 : i32
      %mul3A_258 = arith.constant 16 : i32
      %mul3A_259 = arith.muli %select_n3A_257, %mul3A_258 : i32
      %swap3A = arith.constant 3 : i32
      %swap3A_260 = arith.index_cast %swap3A : i32 to index
      %swap3A_261 = arith.index_cast %select_n3A_242 : i32 to index
      %swap3A_262 = arith.index_cast %mul3A_259 : i32 to index
      %swap3A_263 = tpu.vector_load %arg9[%swap3A_260, %swap3A_261, %swap3A_262] {strides = array<i32>} : memref<4x128x64xf32, #tpu.memory_space<vmem>>, vector<16xf32>,
      tpu.vector_store %arg9[%swap3A_260, %swap3A_261, %swap3A_262], %broadcast_in_dim3A_45 {strides = array<i32>} : memref<4x128x64xf32, #tpu.memory_space<vmem>>, vector<16xf32>,
    }
    %scan3A_102 = arith.constant 512 : i32
    %mul3A_103 = arith.constant 625 : i32
    %mul3A_104 = arith.muli %arg1, %mul3A_103 : i32
    %add3A_105 = arith.constant 0 : i32
    %add3A_106 = arith.addi %mul3A_104, %add3A_105 : i32
    %run_scoped3A = arith.constant 3 : i32
    "tpu.region"() ({
      %run_scoped3A_218 = tpu.sem_alloc : memref<!tpu.dma_semaphore, #tpu.memory_space<semaphore_mem>>
      %dma_start3A_219 = arith.constant 0 : i32
      %dma_start3A_220 = arith.constant 0 : i32
      %dma_start3A_221 = tpu.memref_slice %arg9[%run_scoped3A, %dma_start3A_219, %dma_start3A_220] : memref<4x128x64xf32, #tpu.memory_space<vmem>> -> memref<1x128x64xf32, #tpu.memory_space<vmem>>
      %dma_start3A_222 = tpu.memref_squeeze %dma_start3A_221 : memref<1x128x64xf32, #tpu.memory_space<vmem>> -> memref<128x64xf32, #tpu.memory_space<vmem>>
      %dma_start3A_223 = arith.constant 0 : i32
      %dma_start3A_224 = arith.constant 0 : i32
      %dma_start3A_225 = tpu.memref_slice %dma_start3A_222[%dma_start3A_223, %dma_start3A_224] : memref<128x64xf32, #tpu.memory_space<vmem>> -> memref<128x64xf32, #tpu.memory_space<vmem>>
      %dma_start3A_226 = arith.constant 0 : i32
      %dma_start3A_227 = tpu.memref_slice %arg11[%add3A_106, %dma_start3A_226] : memref<10000x64xf32, #tpu.memory_space<vmem_shared>> -> memref<128x64xf32, #tpu.memory_space<vmem_shared>>
      %dma_start3A_228 = arith.constant 0 : i32
      %dma_start3A_229 = tpu.memref_slice %arg11[%add3A_106, %dma_start3A_228] : memref<10000x64xf32, #tpu.memory_space<vmem_shared>> -> memref<128x64xf32, #tpu.memory_space<vmem_shared>>
      %dma_start3A_230 = arith.constant 0 : i32
      %dma_start3A_231 = arith.constant 0 : i32
      %dma_start3A_232 = tpu.memref_slice %arg9[%run_scoped3A, %dma_start3A_230, %dma_start3A_231] : memref<4x128x64xf32, #tpu.memory_space<vmem>> -> memref<1x128x64xf32, #tpu.memory_space<vmem>>
      %dma_start3A_233 = tpu.memref_squeeze %dma_start3A_232 : memref<1x128x64xf32, #tpu.memory_space<vmem>> -> memref<128x64xf32, #tpu.memory_space<vmem>>
      %dma_start3A_234 = arith.constant 0 : i32
      %dma_start3A_235 = arith.constant 0 : i32
      %dma_start3A_236 = tpu.memref_slice %dma_start3A_233[%dma_start3A_234, %dma_start3A_235] : memref<128x64xf32, #tpu.memory_space<vmem>> -> memref<128x64xf32, #tpu.memory_space<vmem>>
      tpu.enqueue_dma source(%dma_start3A_236 : memref<128x64xf32, #tpu.memory_space<vmem>>) target(%dma_start3A_229 : memref<128x64xf32, #tpu.memory_space<vmem_shared>>) target_semaphore(%run_scoped3A_218 : memref<!tpu.dma_semaphore, #tpu.memory_space<semaphore_mem>>)
      %dma_wait3A_237 = arith.constant 0 : i32
      %dma_wait3A_238 = arith.constant 0 : i32
      %dma_wait3A_239 = tpu.memref_slice %arg9[%run_scoped3A, %dma_wait3A_237, %dma_wait3A_238] : memref<4x128x64xf32, #tpu.memory_space<vmem>> -> memref<1x128x64xf32, #tpu.memory_space<vmem>>
      %dma_wait3A_240 = tpu.memref_squeeze %dma_wait3A_239 : memref<1x128x64xf32, #tpu.memory_space<vmem>> -> memref<128x64xf32, #tpu.memory_space<vmem>>
      %dma_wait3A_241 = arith.constant 0 : i32
      %dma_wait3A_242 = arith.constant 0 : i32
      %dma_wait3A_243 = tpu.memref_slice %dma_wait3A_240[%dma_wait3A_241, %dma_wait3A_242] : memref<128x64xf32, #tpu.memory_space<vmem>> -> memref<128x64xf32, #tpu.memory_space<vmem>>
      %dma_wait3A_244 = arith.constant 0 : i32
      %dma_wait3A_245 = tpu.memref_slice %arg11[%add3A_106, %dma_wait3A_244] : memref<10000x64xf32, #tpu.memory_space<vmem_shared>> -> memref<128x64xf32, #tpu.memory_space<vmem_shared>>
      %dma_wait3A_246 = arith.constant 0 : i32
      %dma_wait3A_247 = tpu.memref_slice %arg11[%add3A_106, %dma_wait3A_246] : memref<10000x64xf32, #tpu.memory_space<vmem_shared>> -> memref<128x64xf32, #tpu.memory_space<vmem_shared>>
      %dma_wait3A_248 = arith.constant 0 : i32
      %dma_wait3A_249 = arith.constant 0 : i32
      %dma_wait3A_250 = tpu.memref_slice %arg9[%run_scoped3A, %dma_wait3A_248, %dma_wait3A_249] : memref<4x128x64xf32, #tpu.memory_space<vmem>> -> memref<1x128x64xf32, #tpu.memory_space<vmem>>
      %dma_wait3A_251 = tpu.memref_squeeze %dma_wait3A_250 : memref<1x128x64xf32, #tpu.memory_space<vmem>> -> memref<128x64xf32, #tpu.memory_space<vmem>>
      %dma_wait3A_252 = arith.constant 0 : i32
      %dma_wait3A_253 = arith.constant 0 : i32
      %dma_wait3A_254 = tpu.memref_slice %dma_wait3A_251[%dma_wait3A_252, %dma_wait3A_253] : memref<128x64xf32, #tpu.memory_space<vmem>> -> memref<128x64xf32, #tpu.memory_space<vmem>>
      tpu.wait_dma2 semaphore(%run_scoped3A_218 : memref<!tpu.dma_semaphore, #tpu.memory_space<semaphore_mem>>) src(%dma_wait3A_254 : memref<128x64xf32, #tpu.memory_space<vmem>>) dst(%dma_wait3A_247 : memref<128x64xf32, #tpu.memory_space<vmem_shared>>)
      tpu.yield
    }) : () -> ()
    %add3A_107 = arith.constant 128 : i32
    %add3A_108 = arith.addi %mul3A_104, %add3A_107 : i32
    %run_scoped3A_109 = arith.constant 3 : i32
    "tpu.region"() ({
      %run_scoped3A_218 = tpu.sem_alloc : memref<!tpu.dma_semaphore, #tpu.memory_space<semaphore_mem>>
      %dma_start3A_219 = arith.constant 0 : i32
      %dma_start3A_220 = arith.constant 0 : i32
      %dma_start3A_221 = tpu.memref_slice %arg9[%run_scoped3A_109, %dma_start3A_219, %dma_start3A_220] : memref<4x128x64xf32, #tpu.memory_space<vmem>> -> memref<1x128x64xf32, #tpu.memory_space<vmem>>
      %dma_start3A_222 = tpu.memref_squeeze %dma_start3A_221 : memref<1x128x64xf32, #tpu.memory_space<vmem>> -> memref<128x64xf32, #tpu.memory_space<vmem>>
      %dma_start3A_223 = arith.constant 0 : i32
      %dma_start3A_224 = arith.constant 0 : i32
      %dma_start3A_225 = tpu.memref_slice %dma_start3A_222[%dma_start3A_223, %dma_start3A_224] : memref<128x64xf32, #tpu.memory_space<vmem>> -> memref<128x64xf32, #tpu.memory_space<vmem>>
      %dma_start3A_226 = arith.constant 0 : i32
      %dma_start3A_227 = tpu.memref_slice %arg11[%add3A_108, %dma_start3A_226] : memref<10000x64xf32, #tpu.memory_space<vmem_shared>> -> memref<128x64xf32, #tpu.memory_space<vmem_shared>>
      %dma_start3A_228 = arith.constant 0 : i32
      %dma_start3A_229 = tpu.memref_slice %arg11[%add3A_108, %dma_start3A_228] : memref<10000x64xf32, #tpu.memory_space<vmem_shared>> -> memref<128x64xf32, #tpu.memory_space<vmem_shared>>
      %dma_start3A_230 = arith.constant 0 : i32
      %dma_start3A_231 = arith.constant 0 : i32
      %dma_start3A_232 = tpu.memref_slice %arg9[%run_scoped3A_109, %dma_start3A_230, %dma_start3A_231] : memref<4x128x64xf32, #tpu.memory_space<vmem>> -> memref<1x128x64xf32, #tpu.memory_space<vmem>>
      %dma_start3A_233 = tpu.memref_squeeze %dma_start3A_232 : memref<1x128x64xf32, #tpu.memory_space<vmem>> -> memref<128x64xf32, #tpu.memory_space<vmem>>
      %dma_start3A_234 = arith.constant 0 : i32
      %dma_start3A_235 = arith.constant 0 : i32
      %dma_start3A_236 = tpu.memref_slice %dma_start3A_233[%dma_start3A_234, %dma_start3A_235] : memref<128x64xf32, #tpu.memory_space<vmem>> -> memref<128x64xf32, #tpu.memory_space<vmem>>
      tpu.enqueue_dma source(%dma_start3A_236 : memref<128x64xf32, #tpu.memory_space<vmem>>) target(%dma_start3A_229 : memref<128x64xf32, #tpu.memory_space<vmem_shared>>) target_semaphore(%run_scoped3A_218 : memref<!tpu.dma_semaphore, #tpu.memory_space<semaphore_mem>>)
      %dma_wait3A_237 = arith.constant 0 : i32
      %dma_wait3A_238 = arith.constant 0 : i32
      %dma_wait3A_239 = tpu.memref_slice %arg9[%run_scoped3A_109, %dma_wait3A_237, %dma_wait3A_238] : memref<4x128x64xf32, #tpu.memory_space<vmem>> -> memref<1x128x64xf32, #tpu.memory_space<vmem>>
      %dma_wait3A_240 = tpu.memref_squeeze %dma_wait3A_239 : memref<1x128x64xf32, #tpu.memory_space<vmem>> -> memref<128x64xf32, #tpu.memory_space<vmem>>
      %dma_wait3A_241 = arith.constant 0 : i32
      %dma_wait3A_242 = arith.constant 0 : i32
      %dma_wait3A_243 = tpu.memref_slice %dma_wait3A_240[%dma_wait3A_241, %dma_wait3A_242] : memref<128x64xf32, #tpu.memory_space<vmem>> -> memref<128x64xf32, #tpu.memory_space<vmem>>
      %dma_wait3A_244 = arith.constant 0 : i32
      %dma_wait3A_245 = tpu.memref_slice %arg11[%add3A_108, %dma_wait3A_244] : memref<10000x64xf32, #tpu.memory_space<vmem_shared>> -> memref<128x64xf32, #tpu.memory_space<vmem_shared>>
      %dma_wait3A_246 = arith.constant 0 : i32
      %dma_wait3A_247 = tpu.memref_slice %arg11[%add3A_108, %dma_wait3A_246] : memref<10000x64xf32, #tpu.memory_space<vmem_shared>> -> memref<128x64xf32, #tpu.memory_space<vmem_shared>>
      %dma_wait3A_248 = arith.constant 0 : i32
      %dma_wait3A_249 = arith.constant 0 : i32
      %dma_wait3A_250 = tpu.memref_slice %arg9[%run_scoped3A_109, %dma_wait3A_248, %dma_wait3A_249] : memref<4x128x64xf32, #tpu.memory_space<vmem>> -> memref<1x128x64xf32, #tpu.memory_space<vmem>>
      %dma_wait3A_251 = tpu.memref_squeeze %dma_wait3A_250 : memref<1x128x64xf32, #tpu.memory_space<vmem>> -> memref<128x64xf32, #tpu.memory_space<vmem>>
      %dma_wait3A_252 = arith.constant 0 : i32
      %dma_wait3A_253 = arith.constant 0 : i32
      %dma_wait3A_254 = tpu.memref_slice %dma_wait3A_251[%dma_wait3A_252, %dma_wait3A_253] : memref<128x64xf32, #tpu.memory_space<vmem>> -> memref<128x64xf32, #tpu.memory_space<vmem>>
      tpu.wait_dma2 semaphore(%run_scoped3A_218 : memref<!tpu.dma_semaphore, #tpu.memory_space<semaphore_mem>>) src(%dma_wait3A_254 : memref<128x64xf32, #tpu.memory_space<vmem>>) dst(%dma_wait3A_247 : memref<128x64xf32, #tpu.memory_space<vmem_shared>>)
      tpu.yield
    }) : () -> ()
    %add3A_110 = arith.constant 256 : i32
    %add3A_111 = arith.addi %mul3A_104, %add3A_110 : i32
    %run_scoped3A_112 = arith.constant 3 : i32
    "tpu.region"() ({
      %run_scoped3A_218 = tpu.sem_alloc : memref<!tpu.dma_semaphore, #tpu.memory_space<semaphore_mem>>
      %dma_start3A_219 = arith.constant 0 : i32
      %dma_start3A_220 = arith.constant 0 : i32
      %dma_start3A_221 = tpu.memref_slice %arg9[%run_scoped3A_112, %dma_start3A_219, %dma_start3A_220] : memref<4x128x64xf32, #tpu.memory_space<vmem>> -> memref<1x128x64xf32, #tpu.memory_space<vmem>>
      %dma_start3A_222 = tpu.memref_squeeze %dma_start3A_221 : memref<1x128x64xf32, #tpu.memory_space<vmem>> -> memref<128x64xf32, #tpu.memory_space<vmem>>
      %dma_start3A_223 = arith.constant 0 : i32
      %dma_start3A_224 = arith.constant 0 : i32
      %dma_start3A_225 = tpu.memref_slice %dma_start3A_222[%dma_start3A_223, %dma_start3A_224] : memref<128x64xf32, #tpu.memory_space<vmem>> -> memref<128x64xf32, #tpu.memory_space<vmem>>
      %dma_start3A_226 = arith.constant 0 : i32
      %dma_start3A_227 = tpu.memref_slice %arg11[%add3A_111, %dma_start3A_226] : memref<10000x64xf32, #tpu.memory_space<vmem_shared>> -> memref<128x64xf32, #tpu.memory_space<vmem_shared>>
      %dma_start3A_228 = arith.constant 0 : i32
      %dma_start3A_229 = tpu.memref_slice %arg11[%add3A_111, %dma_start3A_228] : memref<10000x64xf32, #tpu.memory_space<vmem_shared>> -> memref<128x64xf32, #tpu.memory_space<vmem_shared>>
      %dma_start3A_230 = arith.constant 0 : i32
      %dma_start3A_231 = arith.constant 0 : i32
      %dma_start3A_232 = tpu.memref_slice %arg9[%run_scoped3A_112, %dma_start3A_230, %dma_start3A_231] : memref<4x128x64xf32, #tpu.memory_space<vmem>> -> memref<1x128x64xf32, #tpu.memory_space<vmem>>
      %dma_start3A_233 = tpu.memref_squeeze %dma_start3A_232 : memref<1x128x64xf32, #tpu.memory_space<vmem>> -> memref<128x64xf32, #tpu.memory_space<vmem>>
      %dma_start3A_234 = arith.constant 0 : i32
      %dma_start3A_235 = arith.constant 0 : i32
      %dma_start3A_236 = tpu.memref_slice %dma_start3A_233[%dma_start3A_234, %dma_start3A_235] : memref<128x64xf32, #tpu.memory_space<vmem>> -> memref<128x64xf32, #tpu.memory_space<vmem>>
      tpu.enqueue_dma source(%dma_start3A_236 : memref<128x64xf32, #tpu.memory_space<vmem>>) target(%dma_start3A_229 : memref<128x64xf32, #tpu.memory_space<vmem_shared>>) target_semaphore(%run_scoped3A_218 : memref<!tpu.dma_semaphore, #tpu.memory_space<semaphore_mem>>)
      %dma_wait3A_237 = arith.constant 0 : i32
      %dma_wait3A_238 = arith.constant 0 : i32
      %dma_wait3A_239 = tpu.memref_slice %arg9[%run_scoped3A_112, %dma_wait3A_237, %dma_wait3A_238] : memref<4x128x64xf32, #tpu.memory_space<vmem>> -> memref<1x128x64xf32, #tpu.memory_space<vmem>>
      %dma_wait3A_240 = tpu.memref_squeeze %dma_wait3A_239 : memref<1x128x64xf32, #tpu.memory_space<vmem>> -> memref<128x64xf32, #tpu.memory_space<vmem>>
      %dma_wait3A_241 = arith.constant 0 : i32
      %dma_wait3A_242 = arith.constant 0 : i32
      %dma_wait3A_243 = tpu.memref_slice %dma_wait3A_240[%dma_wait3A_241, %dma_wait3A_242] : memref<128x64xf32, #tpu.memory_space<vmem>> -> memref<128x64xf32, #tpu.memory_space<vmem>>
      %dma_wait3A_244 = arith.constant 0 : i32
      %dma_wait3A_245 = tpu.memref_slice %arg11[%add3A_111, %dma_wait3A_244] : memref<10000x64xf32, #tpu.memory_space<vmem_shared>> -> memref<128x64xf32, #tpu.memory_space<vmem_shared>>
      %dma_wait3A_246 = arith.constant 0 : i32
      %dma_wait3A_247 = tpu.memref_slice %arg11[%add3A_111, %dma_wait3A_246] : memref<10000x64xf32, #tpu.memory_space<vmem_shared>> -> memref<128x64xf32, #tpu.memory_space<vmem_shared>>
      %dma_wait3A_248 = arith.constant 0 : i32
      %dma_wait3A_249 = arith.constant 0 : i32
      %dma_wait3A_250 = tpu.memref_slice %arg9[%run_scoped3A_112, %dma_wait3A_248, %dma_wait3A_249] : memref<4x128x64xf32, #tpu.memory_space<vmem>> -> memref<1x128x64xf32, #tpu.memory_space<vmem>>
      %dma_wait3A_251 = tpu.memref_squeeze %dma_wait3A_250 : memref<1x128x64xf32, #tpu.memory_space<vmem>> -> memref<128x64xf32, #tpu.memory_space<vmem>>
      %dma_wait3A_252 = arith.constant 0 : i32
      %dma_wait3A_253 = arith.constant 0 : i32
      %dma_wait3A_254 = tpu.memref_slice %dma_wait3A_251[%dma_wait3A_252, %dma_wait3A_253] : memref<128x64xf32, #tpu.memory_space<vmem>> -> memref<128x64xf32, #tpu.memory_space<vmem>>
      tpu.wait_dma2 semaphore(%run_scoped3A_218 : memref<!tpu.dma_semaphore, #tpu.memory_space<semaphore_mem>>) src(%dma_wait3A_254 : memref<128x64xf32, #tpu.memory_space<vmem>>) dst(%dma_wait3A_247 : memref<128x64xf32, #tpu.memory_space<vmem_shared>>)
      tpu.yield
    }) : () -> ()
    %add3A_113 = arith.constant 384 : i32
    %add3A_114 = arith.addi %mul3A_104, %add3A_113 : i32
    %run_scoped3A_115 = arith.constant 3 : i32
    "tpu.region"() ({
      %run_scoped3A_218 = tpu.sem_alloc : memref<!tpu.dma_semaphore, #tpu.memory_space<semaphore_mem>>
      %dma_start3A_219 = arith.constant 0 : i32
      %dma_start3A_220 = arith.constant 0 : i32
      %dma_start3A_221 = tpu.memref_slice %arg9[%run_scoped3A_115, %dma_start3A_219, %dma_start3A_220] : memref<4x128x64xf32, #tpu.memory_space<vmem>> -> memref<1x128x64xf32, #tpu.memory_space<vmem>>
      %dma_start3A_222 = tpu.memref_squeeze %dma_start3A_221 : memref<1x128x64xf32, #tpu.memory_space<vmem>> -> memref<128x64xf32, #tpu.memory_space<vmem>>
      %dma_start3A_223 = arith.constant 0 : i32
      %dma_start3A_224 = arith.constant 0 : i32
      %dma_start3A_225 = tpu.memref_slice %dma_start3A_222[%dma_start3A_223, %dma_start3A_224] : memref<128x64xf32, #tpu.memory_space<vmem>> -> memref<128x64xf32, #tpu.memory_space<vmem>>
      %dma_start3A_226 = arith.constant 0 : i32
      %dma_start3A_227 = tpu.memref_slice %arg11[%add3A_114, %dma_start3A_226] : memref<10000x64xf32, #tpu.memory_space<vmem_shared>> -> memref<128x64xf32, #tpu.memory_space<vmem_shared>>
      %dma_start3A_228 = arith.constant 0 : i32
      %dma_start3A_229 = tpu.memref_slice %arg11[%add3A_114, %dma_start3A_228] : memref<10000x64xf32, #tpu.memory_space<vmem_shared>> -> memref<128x64xf32, #tpu.memory_space<vmem_shared>>
      %dma_start3A_230 = arith.constant 0 : i32
      %dma_start3A_231 = arith.constant 0 : i32
      %dma_start3A_232 = tpu.memref_slice %arg9[%run_scoped3A_115, %dma_start3A_230, %dma_start3A_231] : memref<4x128x64xf32, #tpu.memory_space<vmem>> -> memref<1x128x64xf32, #tpu.memory_space<vmem>>
      %dma_start3A_233 = tpu.memref_squeeze %dma_start3A_232 : memref<1x128x64xf32, #tpu.memory_space<vmem>> -> memref<128x64xf32, #tpu.memory_space<vmem>>
      %dma_start3A_234 = arith.constant 0 : i32
      %dma_start3A_235 = arith.constant 0 : i32
      %dma_start3A_236 = tpu.memref_slice %dma_start3A_233[%dma_start3A_234, %dma_start3A_235] : memref<128x64xf32, #tpu.memory_space<vmem>> -> memref<128x64xf32, #tpu.memory_space<vmem>>
      tpu.enqueue_dma source(%dma_start3A_236 : memref<128x64xf32, #tpu.memory_space<vmem>>) target(%dma_start3A_229 : memref<128x64xf32, #tpu.memory_space<vmem_shared>>) target_semaphore(%run_scoped3A_218 : memref<!tpu.dma_semaphore, #tpu.memory_space<semaphore_mem>>)
      %dma_wait3A_237 = arith.constant 0 : i32
      %dma_wait3A_238 = arith.constant 0 : i32
      %dma_wait3A_239 = tpu.memref_slice %arg9[%run_scoped3A_115, %dma_wait3A_237, %dma_wait3A_238] : memref<4x128x64xf32, #tpu.memory_space<vmem>> -> memref<1x128x64xf32, #tpu.memory_space<vmem>>
      %dma_wait3A_240 = tpu.memref_squeeze %dma_wait3A_239 : memref<1x128x64xf32, #tpu.memory_space<vmem>> -> memref<128x64xf32, #tpu.memory_space<vmem>>
      %dma_wait3A_241 = arith.constant 0 : i32
      %dma_wait3A_242 = arith.constant 0 : i32
      %dma_wait3A_243 = tpu.memref_slice %dma_wait3A_240[%dma_wait3A_241, %dma_wait3A_242] : memref<128x64xf32, #tpu.memory_space<vmem>> -> memref<128x64xf32, #tpu.memory_space<vmem>>
      %dma_wait3A_244 = arith.constant 0 : i32
      %dma_wait3A_245 = tpu.memref_slice %arg11[%add3A_114, %dma_wait3A_244] : memref<10000x64xf32, #tpu.memory_space<vmem_shared>> -> memref<128x64xf32, #tpu.memory_space<vmem_shared>>
      %dma_wait3A_246 = arith.constant 0 : i32
      %dma_wait3A_247 = tpu.memref_slice %arg11[%add3A_114, %dma_wait3A_246] : memref<10000x64xf32, #tpu.memory_space<vmem_shared>> -> memref<128x64xf32, #tpu.memory_space<vmem_shared>>
      %dma_wait3A_248 = arith.constant 0 : i32
      %dma_wait3A_249 = arith.constant 0 : i32
      %dma_wait3A_250 = tpu.memref_slice %arg9[%run_scoped3A_115, %dma_wait3A_248, %dma_wait3A_249] : memref<4x128x64xf32, #tpu.memory_space<vmem>> -> memref<1x128x64xf32, #tpu.memory_space<vmem>>
      %dma_wait3A_251 = tpu.memref_squeeze %dma_wait3A_250 : memref<1x128x64xf32, #tpu.memory_space<vmem>> -> memref<128x64xf32, #tpu.memory_space<vmem>>
      %dma_wait3A_252 = arith.constant 0 : i32
      %dma_wait3A_253 = arith.constant 0 : i32
      %dma_wait3A_254 = tpu.memref_slice %dma_wait3A_251[%dma_wait3A_252, %dma_wait3A_253] : memref<128x64xf32, #tpu.memory_space<vmem>> -> memref<128x64xf32, #tpu.memory_space<vmem>>
      tpu.wait_dma2 semaphore(%run_scoped3A_218 : memref<!tpu.dma_semaphore, #tpu.memory_space<semaphore_mem>>) src(%dma_wait3A_254 : memref<128x64xf32, #tpu.memory_space<vmem>>) dst(%dma_wait3A_247 : memref<128x64xf32, #tpu.memory_space<vmem_shared>>)
      tpu.yield
    }) : () -> ()
    %add3A_116 = arith.constant 512 : i32
    %add3A_117 = arith.addi %mul3A_104, %add3A_116 : i32
    %run_scoped3A_118 = arith.constant 3 : i32
    "tpu.region"() ({
      %run_scoped3A_218 = tpu.sem_alloc : memref<!tpu.dma_semaphore, #tpu.memory_space<semaphore_mem>>
      %dma_start3A_219 = arith.constant 0 : i32
      %dma_start3A_220 = arith.constant 0 : i32
      %dma_start3A_221 = tpu.memref_slice %arg9[%run_scoped3A_118, %dma_start3A_219, %dma_start3A_220] : memref<4x128x64xf32, #tpu.memory_space<vmem>> -> memref<1x128x64xf32, #tpu.memory_space<vmem>>
      %dma_start3A_222 = tpu.memref_squeeze %dma_start3A_221 : memref<1x128x64xf32, #tpu.memory_space<vmem>> -> memref<128x64xf32, #tpu.memory_space<vmem>>
      %dma_start3A_223 = arith.constant 0 : i32
      %dma_start3A_224 = arith.constant 0 : i32
      %dma_start3A_225 = tpu.memref_slice %dma_start3A_222[%dma_start3A_223, %dma_start3A_224] : memref<128x64xf32, #tpu.memory_space<vmem>> -> memref<113x64xf32, #tpu.memory_space<vmem>>
      %dma_start3A_226 = arith.constant 0 : i32
      %dma_start3A_227 = tpu.memref_slice %arg11[%add3A_117, %dma_start3A_226] : memref<10000x64xf32, #tpu.memory_space<vmem_shared>> -> memref<113x64xf32, #tpu.memory_space<vmem_shared>>
      %dma_start3A_228 = arith.constant 0 : i32
      %dma_start3A_229 = tpu.memref_slice %arg11[%add3A_117, %dma_start3A_228] : memref<10000x64xf32, #tpu.memory_space<vmem_shared>> -> memref<113x64xf32, #tpu.memory_space<vmem_shared>>
      %dma_start3A_230 = arith.constant 0 : i32
      %dma_start3A_231 = arith.constant 0 : i32
      %dma_start3A_232 = tpu.memref_slice %arg9[%run_scoped3A_118, %dma_start3A_230, %dma_start3A_231] : memref<4x128x64xf32, #tpu.memory_space<vmem>> -> memref<1x128x64xf32, #tpu.memory_space<vmem>>
      %dma_start3A_233 = tpu.memref_squeeze %dma_start3A_232 : memref<1x128x64xf32, #tpu.memory_space<vmem>> -> memref<128x64xf32, #tpu.memory_space<vmem>>
      %dma_start3A_234 = arith.constant 0 : i32
      %dma_start3A_235 = arith.constant 0 : i32
      %dma_start3A_236 = tpu.memref_slice %dma_start3A_233[%dma_start3A_234, %dma_start3A_235] : memref<128x64xf32, #tpu.memory_space<vmem>> -> memref<113x64xf32, #tpu.memory_space<vmem>>
      tpu.enqueue_dma source(%dma_start3A_236 : memref<113x64xf32, #tpu.memory_space<vmem>>) target(%dma_start3A_229 : memref<113x64xf32, #tpu.memory_space<vmem_shared>>) target_semaphore(%run_scoped3A_218 : memref<!tpu.dma_semaphore, #tpu.memory_space<semaphore_mem>>)
      %dma_wait3A_237 = arith.constant 0 : i32
      %dma_wait3A_238 = arith.constant 0 : i32
      %dma_wait3A_239 = tpu.memref_slice %arg9[%run_scoped3A_118, %dma_wait3A_237, %dma_wait3A_238] : memref<4x128x64xf32, #tpu.memory_space<vmem>> -> memref<1x128x64xf32, #tpu.memory_space<vmem>>
      %dma_wait3A_240 = tpu.memref_squeeze %dma_wait3A_239 : memref<1x128x64xf32, #tpu.memory_space<vmem>> -> memref<128x64xf32, #tpu.memory_space<vmem>>
      %dma_wait3A_241 = arith.constant 0 : i32
      %dma_wait3A_242 = arith.constant 0 : i32
      %dma_wait3A_243 = tpu.memref_slice %dma_wait3A_240[%dma_wait3A_241, %dma_wait3A_242] : memref<128x64xf32, #tpu.memory_space<vmem>> -> memref<113x64xf32, #tpu.memory_space<vmem>>
      %dma_wait3A_244 = arith.constant 0 : i32
      %dma_wait3A_245 = tpu.memref_slice %arg11[%add3A_117, %dma_wait3A_244] : memref<10000x64xf32, #tpu.memory_space<vmem_shared>> -> memref<113x64xf32, #tpu.memory_space<vmem_shared>>
      %dma_wait3A_246 = arith.constant 0 : i32
      %dma_wait3A_247 = tpu.memref_slice %arg11[%add3A_117, %dma_wait3A_246] : memref<10000x64xf32, #tpu.memory_space<vmem_shared>> -> memref<113x64xf32, #tpu.memory_space<vmem_shared>>
      %dma_wait3A_248 = arith.constant 0 : i32
      %dma_wait3A_249 = arith.constant 0 : i32
      %dma_wait3A_250 = tpu.memref_slice %arg9[%run_scoped3A_118, %dma_wait3A_248, %dma_wait3A_249] : memref<4x128x64xf32, #tpu.memory_space<vmem>> -> memref<1x128x64xf32, #tpu.memory_space<vmem>>
      %dma_wait3A_251 = tpu.memref_squeeze %dma_wait3A_250 : memref<1x128x64xf32, #tpu.memory_space<vmem>> -> memref<128x64xf32, #tpu.memory_space<vmem>>
      %dma_wait3A_252 = arith.constant 0 : i32
      %dma_wait3A_253 = arith.constant 0 : i32
      %dma_wait3A_254 = tpu.memref_slice %dma_wait3A_251[%dma_wait3A_252, %dma_wait3A_253] : memref<128x64xf32, #tpu.memory_space<vmem>> -> memref<113x64xf32, #tpu.memory_space<vmem>>
      tpu.wait_dma2 semaphore(%run_scoped3A_218 : memref<!tpu.dma_semaphore, #tpu.memory_space<semaphore_mem>>) src(%dma_wait3A_254 : memref<113x64xf32, #tpu.memory_space<vmem>>) dst(%dma_wait3A_247 : memref<113x64xf32, #tpu.memory_space<vmem_shared>>)
      tpu.yield
    }) : () -> ()
    %barrier3A = arith.constant 0 : index
    tpu.barrier barrier_id(%barrier3A)
    %add3A_119 = arith.constant 4 : i32
    %add3A_120 = arith.addi %sub3A_44, %add3A_119 : i32
    %sub3A_121 = arith.constant 1 : i32
    %sub3A_122 = arith.subi %add3A_120, %sub3A_121 : i32
    %jit3A_123 = arith.constant 4 : i32
    %div3A_124 = arith.divsi %sub3A_122, %jit3A_123 : i32
    %sign3A_125 = arith.constant 0 : i32
    %sign3A_126 = arith.cmpi sgt, %sub3A_122, %sign3A_125 : i32
    %sign3A_127 = arith.extui %sign3A_126 : i1 to i32
    %sign3A_128 = arith.constant 0 : i32
    %sign3A_129 = arith.cmpi slt, %sub3A_122, %sign3A_128 : i32
    %sign3A_130 = arith.extui %sign3A_129 : i1 to i32
    %sign3A_131 = arith.subi %sign3A_127, %sign3A_130 : i32
    %sign3A_132 = arith.constant 0 : i32
    %sign3A_133 = arith.cmpi sgt, %jit3A_123, %sign3A_132 : i32
    %sign3A_134 = arith.extui %sign3A_133 : i1 to i32
    %sign3A_135 = arith.constant 0 : i32
    %sign3A_136 = arith.cmpi slt, %jit3A_123, %sign3A_135 : i32
    %sign3A_137 = arith.extui %sign3A_136 : i1 to i32
    %sign3A_138 = arith.subi %sign3A_134, %sign3A_137 : i32
    %ne3A_139 = arith.cmpi ne, %sign3A_131, %sign3A_138 : i32
    %rem3A_140 = arith.remsi %sub3A_122, %jit3A_123 : i32
    %ne3A_141 = arith.constant 0 : i32
    %ne3A_142 = arith.cmpi ne, %rem3A_140, %ne3A_141 : i32
    %and3A_143 = arith.andi %ne3A_139, %ne3A_142 : i1
    %sub3A_144 = arith.constant 1 : i32
    %sub3A_145 = arith.subi %div3A_124, %sub3A_144 : i32
    %select_n3A_146 = arith.select %and3A_143, %sub3A_145, %div3A_124 : i32
    %while3A = arith.constant 0 : i32
    %while3A_147 = arith.constant 0 : i32
    %while3A_148 = arith.subi %select_n3A_146, %while3A_147 : i32
    %while3A_149 = arith.addi %while3A_147, %while3A_148 : i32
    %while3A_150 = arith.constant 1 : i32
    %while3A_151 = arith.divsi %while3A_148, %while3A_150 : i32
    %while3A_152 = arith.muli %while3A_151, %while3A_150 : i32
    %while3A_153 = arith.addi %while3A_147, %while3A_152 : i32
    %while3A_154 = arith.constant 1 : i32
    scf.for %while3A_218 = %while3A_147 to %while3A_153 step %while3A_154  : i32 {
      %mul3A_219 = arith.constant 4 : i32
      %mul3A_220 = arith.muli %while3A_218, %mul3A_219 : i32
      %add3A_221 = arith.constant 0 : i32
      %add3A_222 = arith.addi %mul3A_220, %add3A_221 : i32
      %lt3A = arith.cmpi slt, %add3A_222, %sub3A_44 : i32
      %convert_element_type3A_223 = arith.extui %lt3A : i1 to i32
      %cond3A_224 = arith.constant 0 : i32
      %cond3A_225 = arith.cmpi ne, %convert_element_type3A_223, %cond3A_224 : i32
      scf.if %cond3A_225 {
        %add3A_250 = arith.constant 3 : i32
        %add3A_251 = arith.addi %add3A_222, %add3A_250 : i32
        %lt3A_252 = arith.cmpi slt, %add3A_251, %sub3A_44 : i32
        %convert_element_type3A_253 = arith.extui %lt3A_252 : i1 to i32
        %cond3A_254 = arith.constant 0 : i32
        %cond3A_255 = arith.cmpi ne, %convert_element_type3A_253, %cond3A_254 : i32
        scf.if %cond3A_255 {
          %sub3A_307 = arith.constant 4 : i32
          %sub3A_308 = arith.subi %add3A_251, %sub3A_307 : i32
          %ge3A = arith.constant 0 : i32
          %ge3A_309 = arith.cmpi sge, %sub3A_308, %ge3A : i32
          %convert_element_type3A_310 = arith.extui %ge3A_309 : i1 to i32
          %cond3A_311 = arith.constant 0 : i32
          %cond3A_312 = arith.cmpi ne, %convert_element_type3A_310, %cond3A_311 : i32
          scf.if %cond3A_312 {
            %sub3A_327 = arith.constant 4 : i32
            %sub3A_328 = arith.subi %add3A_251, %sub3A_327 : i32
            %dma_wait3A_329 = arith.constant 3 : i32
            %dma_wait3A_330 = arith.constant 3 : i32
            %dma_wait3A_331 = arith.constant 0 : i32
            %dma_wait3A_332 = arith.constant 0 : i32
            %dma_wait3A_333 = tpu.memref_slice %arg9[%dma_wait3A_329, %dma_wait3A_331, %dma_wait3A_332] : memref<4x128x64xf32, #tpu.memory_space<vmem>> -> memref<1x128x64xf32, #tpu.memory_space<vmem>>
            %dma_wait3A_334 = tpu.memref_squeeze %dma_wait3A_333 : memref<1x128x64xf32, #tpu.memory_space<vmem>> -> memref<128x64xf32, #tpu.memory_space<vmem>>
            %dma_wait3A_335 = arith.constant 0 : i32
            %dma_wait3A_336 = tpu.memref_slice %arg8[%sub3A_328, %dma_wait3A_335] : memref<157x128xi32, #tpu.memory_space<vmem>> -> memref<1x128xi32, #tpu.memory_space<vmem>>
            %dma_wait3A_337 = tpu.memref_squeeze %dma_wait3A_336 : memref<1x128xi32, #tpu.memory_space<vmem>> -> memref<128xi32, #tpu.memory_space<vmem>>
            %dma_wait3A_338 = arith.constant 0 : i32
            %dma_wait3A_339 = arith.constant 0 : i32
            %dma_wait3A_340 = tpu.memref_slice %arg11[%dma_wait3A_338, %dma_wait3A_339] : memref<10000x64xf32, #tpu.memory_space<vmem_shared>> -> memref<10000x64xf32, #tpu.memory_space<vmem_shared>>
            %dma_wait3A_341 = tpu.memref_slice %arg13[%dma_wait3A_330] : memref<4x!tpu.dma_semaphore, #tpu.memory_space<semaphore_mem>> -> memref<1x!tpu.dma_semaphore, #tpu.memory_space<semaphore_mem>>
            %dma_wait3A_342 = tpu.memref_squeeze %dma_wait3A_341 : memref<1x!tpu.dma_semaphore, #tpu.memory_space<semaphore_mem>> -> memref<!tpu.dma_semaphore, #tpu.memory_space<semaphore_mem>>
            tpu.wait_indirect_dma semaphore(%dma_wait3A_342 : memref<!tpu.dma_semaphore, #tpu.memory_space<semaphore_mem>>) src(%dma_wait3A_334 : memref<128x64xf32, #tpu.memory_space<vmem>>) dst(%dma_wait3A_340 : memref<10000x64xf32, #tpu.memory_space<vmem_shared>>)
          } else {
          }
          %dma_start3A_313 = arith.constant 3 : i32
          %dma_start3A_314 = arith.constant 3 : i32
          %dma_start3A_315 = arith.constant 0 : i32
          %dma_start3A_316 = arith.constant 0 : i32
          %dma_start3A_317 = tpu.memref_slice %arg9[%dma_start3A_313, %dma_start3A_315, %dma_start3A_316] : memref<4x128x64xf32, #tpu.memory_space<vmem>> -> memref<1x128x64xf32, #tpu.memory_space<vmem>>
          %dma_start3A_318 = tpu.memref_squeeze %dma_start3A_317 : memref<1x128x64xf32, #tpu.memory_space<vmem>> -> memref<128x64xf32, #tpu.memory_space<vmem>>
          %dma_start3A_319 = arith.constant 0 : i32
          %dma_start3A_320 = tpu.memref_slice %arg7[%add3A_251, %dma_start3A_319] : memref<157x128xi32, #tpu.memory_space<vmem>> -> memref<1x128xi32, #tpu.memory_space<vmem>>
          %dma_start3A_321 = tpu.memref_squeeze %dma_start3A_320 : memref<1x128xi32, #tpu.memory_space<vmem>> -> memref<128xi32, #tpu.memory_space<vmem>>
          %dma_start3A_322 = arith.constant 0 : i32
          %dma_start3A_323 = arith.constant 0 : i32
          %dma_start3A_324 = tpu.memref_slice %arg2[%dma_start3A_322, %dma_start3A_323] : memref<20000x64xf32, #tpu.memory_space<hbm>> -> memref<20000x64xf32, #tpu.memory_space<hbm>>
          %dma_start3A_325 = tpu.memref_slice %arg12[%dma_start3A_314] : memref<4x!tpu.dma_semaphore, #tpu.memory_space<semaphore_mem>> -> memref<1x!tpu.dma_semaphore, #tpu.memory_space<semaphore_mem>>
          %dma_start3A_326 = tpu.memref_squeeze %dma_start3A_325 : memref<1x!tpu.dma_semaphore, #tpu.memory_space<semaphore_mem>> -> memref<!tpu.dma_semaphore, #tpu.memory_space<semaphore_mem>>
          tpu.enqueue_indirect_dma source(%dma_start3A_324 : memref<20000x64xf32, #tpu.memory_space<hbm>>) target(%dma_start3A_318 : memref<128x64xf32, #tpu.memory_space<vmem>>) offsets(%dma_start3A_321 : memref<128xi32, #tpu.memory_space<vmem>>) semaphore(%dma_start3A_326 : memref<!tpu.dma_semaphore, #tpu.memory_space<semaphore_mem>>)
        } else {
        }
        %dma_wait3A_256 = arith.constant 0 : i32
        %dma_wait3A_257 = arith.constant 0 : i32
        %dma_wait3A_258 = arith.constant 0 : i32
        %dma_wait3A_259 = arith.constant 0 : i32
        %dma_wait3A_260 = tpu.memref_slice %arg9[%dma_wait3A_256, %dma_wait3A_258, %dma_wait3A_259] : memref<4x128x64xf32, #tpu.memory_space<vmem>> -> memref<1x128x64xf32, #tpu.memory_space<vmem>>
        %dma_wait3A_261 = tpu.memref_squeeze %dma_wait3A_260 : memref<1x128x64xf32, #tpu.memory_space<vmem>> -> memref<128x64xf32, #tpu.memory_space<vmem>>
        %dma_wait3A_262 = arith.constant 0 : i32
        %dma_wait3A_263 = tpu.memref_slice %arg7[%add3A_222, %dma_wait3A_262] : memref<157x128xi32, #tpu.memory_space<vmem>> -> memref<1x128xi32, #tpu.memory_space<vmem>>
        %dma_wait3A_264 = tpu.memref_squeeze %dma_wait3A_263 : memref<1x128xi32, #tpu.memory_space<vmem>> -> memref<128xi32, #tpu.memory_space<vmem>>
        %dma_wait3A_265 = arith.constant 0 : i32
        %dma_wait3A_266 = arith.constant 0 : i32
        %dma_wait3A_267 = tpu.memref_slice %arg2[%dma_wait3A_265, %dma_wait3A_266] : memref<20000x64xf32, #tpu.memory_space<hbm>> -> memref<20000x64xf32, #tpu.memory_space<hbm>>
        %dma_wait3A_268 = tpu.memref_slice %arg12[%dma_wait3A_257] : memref<4x!tpu.dma_semaphore, #tpu.memory_space<semaphore_mem>> -> memref<1x!tpu.dma_semaphore, #tpu.memory_space<semaphore_mem>>
        %dma_wait3A_269 = tpu.memref_squeeze %dma_wait3A_268 : memref<1x!tpu.dma_semaphore, #tpu.memory_space<semaphore_mem>> -> memref<!tpu.dma_semaphore, #tpu.memory_space<semaphore_mem>>
        tpu.wait_indirect_dma semaphore(%dma_wait3A_269 : memref<!tpu.dma_semaphore, #tpu.memory_space<semaphore_mem>>) src(%dma_wait3A_267 : memref<20000x64xf32, #tpu.memory_space<hbm>>) dst(%dma_wait3A_261 : memref<128x64xf32, #tpu.memory_space<vmem>>)
        %dma_start3A_270 = arith.constant 0 : i32
        %dma_start3A_271 = arith.constant 0 : i32
        %dma_start3A_272 = arith.constant 0 : i32
        %dma_start3A_273 = arith.constant 0 : i32
        %dma_start3A_274 = tpu.memref_slice %arg9[%dma_start3A_270, %dma_start3A_272, %dma_start3A_273] : memref<4x128x64xf32, #tpu.memory_space<vmem>> -> memref<1x128x64xf32, #tpu.memory_space<vmem>>
        %dma_start3A_275 = tpu.memref_squeeze %dma_start3A_274 : memref<1x128x64xf32, #tpu.memory_space<vmem>> -> memref<128x64xf32, #tpu.memory_space<vmem>>
        %dma_start3A_276 = arith.constant 0 : i32
        %dma_start3A_277 = tpu.memref_slice %arg8[%add3A_222, %dma_start3A_276] : memref<157x128xi32, #tpu.memory_space<vmem>> -> memref<1x128xi32, #tpu.memory_space<vmem>>
        %dma_start3A_278 = tpu.memref_squeeze %dma_start3A_277 : memref<1x128xi32, #tpu.memory_space<vmem>> -> memref<128xi32, #tpu.memory_space<vmem>>
        %dma_start3A_279 = arith.constant 0 : i32
        %dma_start3A_280 = arith.constant 0 : i32
        %dma_start3A_281 = tpu.memref_slice %arg11[%dma_start3A_279, %dma_start3A_280] : memref<10000x64xf32, #tpu.memory_space<vmem_shared>> -> memref<10000x64xf32, #tpu.memory_space<vmem_shared>>
        %dma_start3A_282 = tpu.memref_slice %arg13[%dma_start3A_271] : memref<4x!tpu.dma_semaphore, #tpu.memory_space<semaphore_mem>> -> memref<1x!tpu.dma_semaphore, #tpu.memory_space<semaphore_mem>>
        %dma_start3A_283 = tpu.memref_squeeze %dma_start3A_282 : memref<1x!tpu.dma_semaphore, #tpu.memory_space<semaphore_mem>> -> memref<!tpu.dma_semaphore, #tpu.memory_space<semaphore_mem>>
        tpu.enqueue_indirect_dma source(%dma_start3A_275 : memref<128x64xf32, #tpu.memory_space<vmem>>) target(%dma_start3A_281 : memref<10000x64xf32, #tpu.memory_space<vmem_shared>>) offsets(%dma_start3A_278 : memref<128xi32, #tpu.memory_space<vmem>>) semaphore(%dma_start3A_283 : memref<!tpu.dma_semaphore, #tpu.memory_space<semaphore_mem>>) {add = true}
        %get3A = arith.index_cast %add3A_222 : i32 to index
        %get3A_284 = arith.constant 0 : index
        %get3A_285 = tpu.vector_load %arg8[%get3A, %get3A_284] {strides = array<i32>} : memref<157x128xi32, #tpu.memory_space<vmem>>, vector<16xi32>,
        tpu.vector_store_idx %arg10[%get3A_285], %broadcast_in_dim3A_47 {add = true} : memref<10000xf32, #tpu.memory_space<vmem>>[vector<16xi32>], vector<16xf32>,
        %get3A_286 = arith.index_cast %add3A_222 : i32 to index
        %get3A_287 = arith.constant 16 : index
        %get3A_288 = tpu.vector_load %arg8[%get3A_286, %get3A_287] {strides = array<i32>} : memref<157x128xi32, #tpu.memory_space<vmem>>, vector<16xi32>,
        tpu.vector_store_idx %arg10[%get3A_288], %broadcast_in_dim3A_47 {add = true} : memref<10000xf32, #tpu.memory_space<vmem>>[vector<16xi32>], vector<16xf32>,
        %get3A_289 = arith.index_cast %add3A_222 : i32 to index
        %get3A_290 = arith.constant 32 : index
        %get3A_291 = tpu.vector_load %arg8[%get3A_289, %get3A_290] {strides = array<i32>} : memref<157x128xi32, #tpu.memory_space<vmem>>, vector<16xi32>,
        tpu.vector_store_idx %arg10[%get3A_291], %broadcast_in_dim3A_47 {add = true} : memref<10000xf32, #tpu.memory_space<vmem>>[vector<16xi32>], vector<16xf32>,
        %get3A_292 = arith.index_cast %add3A_222 : i32 to index
        %get3A_293 = arith.constant 48 : index
        %get3A_294 = tpu.vector_load %arg8[%get3A_292, %get3A_293] {strides = array<i32>} : memref<157x128xi32, #tpu.memory_space<vmem>>, vector<16xi32>,
        tpu.vector_store_idx %arg10[%get3A_294], %broadcast_in_dim3A_47 {add = true} : memref<10000xf32, #tpu.memory_space<vmem>>[vector<16xi32>], vector<16xf32>,
        %get3A_295 = arith.index_cast %add3A_222 : i32 to index
        %get3A_296 = arith.constant 64 : index
        %get3A_297 = tpu.vector_load %arg8[%get3A_295, %get3A_296] {strides = array<i32>} : memref<157x128xi32, #tpu.memory_space<vmem>>, vector<16xi32>,
        tpu.vector_store_idx %arg10[%get3A_297], %broadcast_in_dim3A_47 {add = true} : memref<10000xf32, #tpu.memory_space<vmem>>[vector<16xi32>], vector<16xf32>,
        %get3A_298 = arith.index_cast %add3A_222 : i32 to index
        %get3A_299 = arith.constant 80 : index
        %get3A_300 = tpu.vector_load %arg8[%get3A_298, %get3A_299] {strides = array<i32>} : memref<157x128xi32, #tpu.memory_space<vmem>>, vector<16xi32>,
        tpu.vector_store_idx %arg10[%get3A_300], %broadcast_in_dim3A_47 {add = true} : memref<10000xf32, #tpu.memory_space<vmem>>[vector<16xi32>], vector<16xf32>,
        %get3A_301 = arith.index_cast %add3A_222 : i32 to index
        %get3A_302 = arith.constant 96 : index
        %get3A_303 = tpu.vector_load %arg8[%get3A_301, %get3A_302] {strides = array<i32>} : memref<157x128xi32, #tpu.memory_space<vmem>>, vector<16xi32>,
        tpu.vector_store_idx %arg10[%get3A_303], %broadcast_in_dim3A_47 {add = true} : memref<10000xf32, #tpu.memory_space<vmem>>[vector<16xi32>], vector<16xf32>,
        %get3A_304 = arith.index_cast %add3A_222 : i32 to index
        %get3A_305 = arith.constant 112 : index
        %get3A_306 = tpu.vector_load %arg8[%get3A_304, %get3A_305] {strides = array<i32>} : memref<157x128xi32, #tpu.memory_space<vmem>>, vector<16xi32>,
        tpu.vector_store_idx %arg10[%get3A_306], %broadcast_in_dim3A_47 {add = true} : memref<10000xf32, #tpu.memory_space<vmem>>[vector<16xi32>], vector<16xf32>,
      } else {
      }
      %mul3A_226 = arith.constant 4 : i32
      %mul3A_227 = arith.muli %while3A_218, %mul3A_226 : i32
      %add3A_228 = arith.constant 1 : i32
      %add3A_229 = arith.addi %mul3A_227, %add3A_228 : i32
      %lt3A_230 = arith.cmpi slt, %add3A_229, %sub3A_44 : i32
      %convert_element_type3A_231 = arith.extui %lt3A_230 : i1 to i32
      %cond3A_232 = arith.constant 0 : i32
      %cond3A_233 = arith.cmpi ne, %convert_element_type3A_231, %cond3A_232 : i32
      scf.if %cond3A_233 {
        %add3A_250 = arith.constant 3 : i32
        %add3A_251 = arith.addi %add3A_229, %add3A_250 : i32
        %lt3A_252 = arith.cmpi slt, %add3A_251, %sub3A_44 : i32
        %convert_element_type3A_253 = arith.extui %lt3A_252 : i1 to i32
        %cond3A_254 = arith.constant 0 : i32
        %cond3A_255 = arith.cmpi ne, %convert_element_type3A_253, %cond3A_254 : i32
        scf.if %cond3A_255 {
          %sub3A_307 = arith.constant 4 : i32
          %sub3A_308 = arith.subi %add3A_251, %sub3A_307 : i32
          %ge3A = arith.constant 0 : i32
          %ge3A_309 = arith.cmpi sge, %sub3A_308, %ge3A : i32
          %convert_element_type3A_310 = arith.extui %ge3A_309 : i1 to i32
          %cond3A_311 = arith.constant 0 : i32
          %cond3A_312 = arith.cmpi ne, %convert_element_type3A_310, %cond3A_311 : i32
          scf.if %cond3A_312 {
            %sub3A_327 = arith.constant 4 : i32
            %sub3A_328 = arith.subi %add3A_251, %sub3A_327 : i32
            %dma_wait3A_329 = arith.constant 0 : i32
            %dma_wait3A_330 = arith.constant 0 : i32
            %dma_wait3A_331 = arith.constant 0 : i32
            %dma_wait3A_332 = arith.constant 0 : i32
            %dma_wait3A_333 = tpu.memref_slice %arg9[%dma_wait3A_329, %dma_wait3A_331, %dma_wait3A_332] : memref<4x128x64xf32, #tpu.memory_space<vmem>> -> memref<1x128x64xf32, #tpu.memory_space<vmem>>
            %dma_wait3A_334 = tpu.memref_squeeze %dma_wait3A_333 : memref<1x128x64xf32, #tpu.memory_space<vmem>> -> memref<128x64xf32, #tpu.memory_space<vmem>>
            %dma_wait3A_335 = arith.constant 0 : i32
            %dma_wait3A_336 = tpu.memref_slice %arg8[%sub3A_328, %dma_wait3A_335] : memref<157x128xi32, #tpu.memory_space<vmem>> -> memref<1x128xi32, #tpu.memory_space<vmem>>
            %dma_wait3A_337 = tpu.memref_squeeze %dma_wait3A_336 : memref<1x128xi32, #tpu.memory_space<vmem>> -> memref<128xi32, #tpu.memory_space<vmem>>
            %dma_wait3A_338 = arith.constant 0 : i32
            %dma_wait3A_339 = arith.constant 0 : i32
            %dma_wait3A_340 = tpu.memref_slice %arg11[%dma_wait3A_338, %dma_wait3A_339] : memref<10000x64xf32, #tpu.memory_space<vmem_shared>> -> memref<10000x64xf32, #tpu.memory_space<vmem_shared>>
            %dma_wait3A_341 = tpu.memref_slice %arg13[%dma_wait3A_330] : memref<4x!tpu.dma_semaphore, #tpu.memory_space<semaphore_mem>> -> memref<1x!tpu.dma_semaphore, #tpu.memory_space<semaphore_mem>>
            %dma_wait3A_342 = tpu.memref_squeeze %dma_wait3A_341 : memref<1x!tpu.dma_semaphore, #tpu.memory_space<semaphore_mem>> -> memref<!tpu.dma_semaphore, #tpu.memory_space<semaphore_mem>>
            tpu.wait_indirect_dma semaphore(%dma_wait3A_342 : memref<!tpu.dma_semaphore, #tpu.memory_space<semaphore_mem>>) src(%dma_wait3A_334 : memref<128x64xf32, #tpu.memory_space<vmem>>) dst(%dma_wait3A_340 : memref<10000x64xf32, #tpu.memory_space<vmem_shared>>)
          } else {
          }
          %dma_start3A_313 = arith.constant 0 : i32
          %dma_start3A_314 = arith.constant 0 : i32
          %dma_start3A_315 = arith.constant 0 : i32
          %dma_start3A_316 = arith.constant 0 : i32
          %dma_start3A_317 = tpu.memref_slice %arg9[%dma_start3A_313, %dma_start3A_315, %dma_start3A_316] : memref<4x128x64xf32, #tpu.memory_space<vmem>> -> memref<1x128x64xf32, #tpu.memory_space<vmem>>
          %dma_start3A_318 = tpu.memref_squeeze %dma_start3A_317 : memref<1x128x64xf32, #tpu.memory_space<vmem>> -> memref<128x64xf32, #tpu.memory_space<vmem>>
          %dma_start3A_319 = arith.constant 0 : i32
          %dma_start3A_320 = tpu.memref_slice %arg7[%add3A_251, %dma_start3A_319] : memref<157x128xi32, #tpu.memory_space<vmem>> -> memref<1x128xi32, #tpu.memory_space<vmem>>
          %dma_start3A_321 = tpu.memref_squeeze %dma_start3A_320 : memref<1x128xi32, #tpu.memory_space<vmem>> -> memref<128xi32, #tpu.memory_space<vmem>>
          %dma_start3A_322 = arith.constant 0 : i32
          %dma_start3A_323 = arith.constant 0 : i32
          %dma_start3A_324 = tpu.memref_slice %arg2[%dma_start3A_322, %dma_start3A_323] : memref<20000x64xf32, #tpu.memory_space<hbm>> -> memref<20000x64xf32, #tpu.memory_space<hbm>>
          %dma_start3A_325 = tpu.memref_slice %arg12[%dma_start3A_314] : memref<4x!tpu.dma_semaphore, #tpu.memory_space<semaphore_mem>> -> memref<1x!tpu.dma_semaphore, #tpu.memory_space<semaphore_mem>>
          %dma_start3A_326 = tpu.memref_squeeze %dma_start3A_325 : memref<1x!tpu.dma_semaphore, #tpu.memory_space<semaphore_mem>> -> memref<!tpu.dma_semaphore, #tpu.memory_space<semaphore_mem>>
          tpu.enqueue_indirect_dma source(%dma_start3A_324 : memref<20000x64xf32, #tpu.memory_space<hbm>>) target(%dma_start3A_318 : memref<128x64xf32, #tpu.memory_space<vmem>>) offsets(%dma_start3A_321 : memref<128xi32, #tpu.memory_space<vmem>>) semaphore(%dma_start3A_326 : memref<!tpu.dma_semaphore, #tpu.memory_space<semaphore_mem>>)
        } else {
        }
        %dma_wait3A_256 = arith.constant 1 : i32
        %dma_wait3A_257 = arith.constant 1 : i32
        %dma_wait3A_258 = arith.constant 0 : i32
        %dma_wait3A_259 = arith.constant 0 : i32
        %dma_wait3A_260 = tpu.memref_slice %arg9[%dma_wait3A_256, %dma_wait3A_258, %dma_wait3A_259] : memref<4x128x64xf32, #tpu.memory_space<vmem>> -> memref<1x128x64xf32, #tpu.memory_space<vmem>>
        %dma_wait3A_261 = tpu.memref_squeeze %dma_wait3A_260 : memref<1x128x64xf32, #tpu.memory_space<vmem>> -> memref<128x64xf32, #tpu.memory_space<vmem>>
        %dma_wait3A_262 = arith.constant 0 : i32
        %dma_wait3A_263 = tpu.memref_slice %arg7[%add3A_229, %dma_wait3A_262] : memref<157x128xi32, #tpu.memory_space<vmem>> -> memref<1x128xi32, #tpu.memory_space<vmem>>
        %dma_wait3A_264 = tpu.memref_squeeze %dma_wait3A_263 : memref<1x128xi32, #tpu.memory_space<vmem>> -> memref<128xi32, #tpu.memory_space<vmem>>
        %dma_wait3A_265 = arith.constant 0 : i32
        %dma_wait3A_266 = arith.constant 0 : i32
        %dma_wait3A_267 = tpu.memref_slice %arg2[%dma_wait3A_265, %dma_wait3A_266] : memref<20000x64xf32, #tpu.memory_space<hbm>> -> memref<20000x64xf32, #tpu.memory_space<hbm>>
        %dma_wait3A_268 = tpu.memref_slice %arg12[%dma_wait3A_257] : memref<4x!tpu.dma_semaphore, #tpu.memory_space<semaphore_mem>> -> memref<1x!tpu.dma_semaphore, #tpu.memory_space<semaphore_mem>>
        %dma_wait3A_269 = tpu.memref_squeeze %dma_wait3A_268 : memref<1x!tpu.dma_semaphore, #tpu.memory_space<semaphore_mem>> -> memref<!tpu.dma_semaphore, #tpu.memory_space<semaphore_mem>>
        tpu.wait_indirect_dma semaphore(%dma_wait3A_269 : memref<!tpu.dma_semaphore, #tpu.memory_space<semaphore_mem>>) src(%dma_wait3A_267 : memref<20000x64xf32, #tpu.memory_space<hbm>>) dst(%dma_wait3A_261 : memref<128x64xf32, #tpu.memory_space<vmem>>)
        %dma_start3A_270 = arith.constant 1 : i32
        %dma_start3A_271 = arith.constant 1 : i32
        %dma_start3A_272 = arith.constant 0 : i32
        %dma_start3A_273 = arith.constant 0 : i32
        %dma_start3A_274 = tpu.memref_slice %arg9[%dma_start3A_270, %dma_start3A_272, %dma_start3A_273] : memref<4x128x64xf32, #tpu.memory_space<vmem>> -> memref<1x128x64xf32, #tpu.memory_space<vmem>>
        %dma_start3A_275 = tpu.memref_squeeze %dma_start3A_274 : memref<1x128x64xf32, #tpu.memory_space<vmem>> -> memref<128x64xf32, #tpu.memory_space<vmem>>
        %dma_start3A_276 = arith.constant 0 : i32
        %dma_start3A_277 = tpu.memref_slice %arg8[%add3A_229, %dma_start3A_276] : memref<157x128xi32, #tpu.memory_space<vmem>> -> memref<1x128xi32, #tpu.memory_space<vmem>>
        %dma_start3A_278 = tpu.memref_squeeze %dma_start3A_277 : memref<1x128xi32, #tpu.memory_space<vmem>> -> memref<128xi32, #tpu.memory_space<vmem>>
        %dma_start3A_279 = arith.constant 0 : i32
        %dma_start3A_280 = arith.constant 0 : i32
        %dma_start3A_281 = tpu.memref_slice %arg11[%dma_start3A_279, %dma_start3A_280] : memref<10000x64xf32, #tpu.memory_space<vmem_shared>> -> memref<10000x64xf32, #tpu.memory_space<vmem_shared>>
        %dma_start3A_282 = tpu.memref_slice %arg13[%dma_start3A_271] : memref<4x!tpu.dma_semaphore, #tpu.memory_space<semaphore_mem>> -> memref<1x!tpu.dma_semaphore, #tpu.memory_space<semaphore_mem>>
        %dma_start3A_283 = tpu.memref_squeeze %dma_start3A_282 : memref<1x!tpu.dma_semaphore, #tpu.memory_space<semaphore_mem>> -> memref<!tpu.dma_semaphore, #tpu.memory_space<semaphore_mem>>
        tpu.enqueue_indirect_dma source(%dma_start3A_275 : memref<128x64xf32, #tpu.memory_space<vmem>>) target(%dma_start3A_281 : memref<10000x64xf32, #tpu.memory_space<vmem_shared>>) offsets(%dma_start3A_278 : memref<128xi32, #tpu.memory_space<vmem>>) semaphore(%dma_start3A_283 : memref<!tpu.dma_semaphore, #tpu.memory_space<semaphore_mem>>) {add = true}
        %get3A = arith.index_cast %add3A_229 : i32 to index
        %get3A_284 = arith.constant 0 : index
        %get3A_285 = tpu.vector_load %arg8[%get3A, %get3A_284] {strides = array<i32>} : memref<157x128xi32, #tpu.memory_space<vmem>>, vector<16xi32>,
        tpu.vector_store_idx %arg10[%get3A_285], %broadcast_in_dim3A_47 {add = true} : memref<10000xf32, #tpu.memory_space<vmem>>[vector<16xi32>], vector<16xf32>,
        %get3A_286 = arith.index_cast %add3A_229 : i32 to index
        %get3A_287 = arith.constant 16 : index
        %get3A_288 = tpu.vector_load %arg8[%get3A_286, %get3A_287] {strides = array<i32>} : memref<157x128xi32, #tpu.memory_space<vmem>>, vector<16xi32>,
        tpu.vector_store_idx %arg10[%get3A_288], %broadcast_in_dim3A_47 {add = true} : memref<10000xf32, #tpu.memory_space<vmem>>[vector<16xi32>], vector<16xf32>,
        %get3A_289 = arith.index_cast %add3A_229 : i32 to index
        %get3A_290 = arith.constant 32 : index
        %get3A_291 = tpu.vector_load %arg8[%get3A_289, %get3A_290] {strides = array<i32>} : memref<157x128xi32, #tpu.memory_space<vmem>>, vector<16xi32>,
        tpu.vector_store_idx %arg10[%get3A_291], %broadcast_in_dim3A_47 {add = true} : memref<10000xf32, #tpu.memory_space<vmem>>[vector<16xi32>], vector<16xf32>,
        %get3A_292 = arith.index_cast %add3A_229 : i32 to index
        %get3A_293 = arith.constant 48 : index
        %get3A_294 = tpu.vector_load %arg8[%get3A_292, %get3A_293] {strides = array<i32>} : memref<157x128xi32, #tpu.memory_space<vmem>>, vector<16xi32>,
        tpu.vector_store_idx %arg10[%get3A_294], %broadcast_in_dim3A_47 {add = true} : memref<10000xf32, #tpu.memory_space<vmem>>[vector<16xi32>], vector<16xf32>,
        %get3A_295 = arith.index_cast %add3A_229 : i32 to index
        %get3A_296 = arith.constant 64 : index
        %get3A_297 = tpu.vector_load %arg8[%get3A_295, %get3A_296] {strides = array<i32>} : memref<157x128xi32, #tpu.memory_space<vmem>>, vector<16xi32>,
        tpu.vector_store_idx %arg10[%get3A_297], %broadcast_in_dim3A_47 {add = true} : memref<10000xf32, #tpu.memory_space<vmem>>[vector<16xi32>], vector<16xf32>,
        %get3A_298 = arith.index_cast %add3A_229 : i32 to index
        %get3A_299 = arith.constant 80 : index
        %get3A_300 = tpu.vector_load %arg8[%get3A_298, %get3A_299] {strides = array<i32>} : memref<157x128xi32, #tpu.memory_space<vmem>>, vector<16xi32>,
        tpu.vector_store_idx %arg10[%get3A_300], %broadcast_in_dim3A_47 {add = true} : memref<10000xf32, #tpu.memory_space<vmem>>[vector<16xi32>], vector<16xf32>,
        %get3A_301 = arith.index_cast %add3A_229 : i32 to index
        %get3A_302 = arith.constant 96 : index
        %get3A_303 = tpu.vector_load %arg8[%get3A_301, %get3A_302] {strides = array<i32>} : memref<157x128xi32, #tpu.memory_space<vmem>>, vector<16xi32>,
        tpu.vector_store_idx %arg10[%get3A_303], %broadcast_in_dim3A_47 {add = true} : memref<10000xf32, #tpu.memory_space<vmem>>[vector<16xi32>], vector<16xf32>,
        %get3A_304 = arith.index_cast %add3A_229 : i32 to index
        %get3A_305 = arith.constant 112 : index
        %get3A_306 = tpu.vector_load %arg8[%get3A_304, %get3A_305] {strides = array<i32>} : memref<157x128xi32, #tpu.memory_space<vmem>>, vector<16xi32>,
        tpu.vector_store_idx %arg10[%get3A_306], %broadcast_in_dim3A_47 {add = true} : memref<10000xf32, #tpu.memory_space<vmem>>[vector<16xi32>], vector<16xf32>,
      } else {
      }
      %mul3A_234 = arith.constant 4 : i32
      %mul3A_235 = arith.muli %while3A_218, %mul3A_234 : i32
      %add3A_236 = arith.constant 2 : i32
      %add3A_237 = arith.addi %mul3A_235, %add3A_236 : i32
      %lt3A_238 = arith.cmpi slt, %add3A_237, %sub3A_44 : i32
      %convert_element_type3A_239 = arith.extui %lt3A_238 : i1 to i32
      %cond3A_240 = arith.constant 0 : i32
      %cond3A_241 = arith.cmpi ne, %convert_element_type3A_239, %cond3A_240 : i32
      scf.if %cond3A_241 {
        %add3A_250 = arith.constant 3 : i32
        %add3A_251 = arith.addi %add3A_237, %add3A_250 : i32
        %lt3A_252 = arith.cmpi slt, %add3A_251, %sub3A_44 : i32
        %convert_element_type3A_253 = arith.extui %lt3A_252 : i1 to i32
        %cond3A_254 = arith.constant 0 : i32
        %cond3A_255 = arith.cmpi ne, %convert_element_type3A_253, %cond3A_254 : i32
        scf.if %cond3A_255 {
          %sub3A_307 = arith.constant 4 : i32
          %sub3A_308 = arith.subi %add3A_251, %sub3A_307 : i32
          %ge3A = arith.constant 0 : i32
          %ge3A_309 = arith.cmpi sge, %sub3A_308, %ge3A : i32
          %convert_element_type3A_310 = arith.extui %ge3A_309 : i1 to i32
          %cond3A_311 = arith.constant 0 : i32
          %cond3A_312 = arith.cmpi ne, %convert_element_type3A_310, %cond3A_311 : i32
          scf.if %cond3A_312 {
            %sub3A_327 = arith.constant 4 : i32
            %sub3A_328 = arith.subi %add3A_251, %sub3A_327 : i32
            %dma_wait3A_329 = arith.constant 1 : i32
            %dma_wait3A_330 = arith.constant 1 : i32
            %dma_wait3A_331 = arith.constant 0 : i32
            %dma_wait3A_332 = arith.constant 0 : i32
            %dma_wait3A_333 = tpu.memref_slice %arg9[%dma_wait3A_329, %dma_wait3A_331, %dma_wait3A_332] : memref<4x128x64xf32, #tpu.memory_space<vmem>> -> memref<1x128x64xf32, #tpu.memory_space<vmem>>
            %dma_wait3A_334 = tpu.memref_squeeze %dma_wait3A_333 : memref<1x128x64xf32, #tpu.memory_space<vmem>> -> memref<128x64xf32, #tpu.memory_space<vmem>>
            %dma_wait3A_335 = arith.constant 0 : i32
            %dma_wait3A_336 = tpu.memref_slice %arg8[%sub3A_328, %dma_wait3A_335] : memref<157x128xi32, #tpu.memory_space<vmem>> -> memref<1x128xi32, #tpu.memory_space<vmem>>
            %dma_wait3A_337 = tpu.memref_squeeze %dma_wait3A_336 : memref<1x128xi32, #tpu.memory_space<vmem>> -> memref<128xi32, #tpu.memory_space<vmem>>
            %dma_wait3A_338 = arith.constant 0 : i32
            %dma_wait3A_339 = arith.constant 0 : i32
            %dma_wait3A_340 = tpu.memref_slice %arg11[%dma_wait3A_338, %dma_wait3A_339] : memref<10000x64xf32, #tpu.memory_space<vmem_shared>> -> memref<10000x64xf32, #tpu.memory_space<vmem_shared>>
            %dma_wait3A_341 = tpu.memref_slice %arg13[%dma_wait3A_330] : memref<4x!tpu.dma_semaphore, #tpu.memory_space<semaphore_mem>> -> memref<1x!tpu.dma_semaphore, #tpu.memory_space<semaphore_mem>>
            %dma_wait3A_342 = tpu.memref_squeeze %dma_wait3A_341 : memref<1x!tpu.dma_semaphore, #tpu.memory_space<semaphore_mem>> -> memref<!tpu.dma_semaphore, #tpu.memory_space<semaphore_mem>>
            tpu.wait_indirect_dma semaphore(%dma_wait3A_342 : memref<!tpu.dma_semaphore, #tpu.memory_space<semaphore_mem>>) src(%dma_wait3A_334 : memref<128x64xf32, #tpu.memory_space<vmem>>) dst(%dma_wait3A_340 : memref<10000x64xf32, #tpu.memory_space<vmem_shared>>)
          } else {
          }
          %dma_start3A_313 = arith.constant 1 : i32
          %dma_start3A_314 = arith.constant 1 : i32
          %dma_start3A_315 = arith.constant 0 : i32
          %dma_start3A_316 = arith.constant 0 : i32
          %dma_start3A_317 = tpu.memref_slice %arg9[%dma_start3A_313, %dma_start3A_315, %dma_start3A_316] : memref<4x128x64xf32, #tpu.memory_space<vmem>> -> memref<1x128x64xf32, #tpu.memory_space<vmem>>
          %dma_start3A_318 = tpu.memref_squeeze %dma_start3A_317 : memref<1x128x64xf32, #tpu.memory_space<vmem>> -> memref<128x64xf32, #tpu.memory_space<vmem>>
          %dma_start3A_319 = arith.constant 0 : i32
          %dma_start3A_320 = tpu.memref_slice %arg7[%add3A_251, %dma_start3A_319] : memref<157x128xi32, #tpu.memory_space<vmem>> -> memref<1x128xi32, #tpu.memory_space<vmem>>
          %dma_start3A_321 = tpu.memref_squeeze %dma_start3A_320 : memref<1x128xi32, #tpu.memory_space<vmem>> -> memref<128xi32, #tpu.memory_space<vmem>>
          %dma_start3A_322 = arith.constant 0 : i32
          %dma_start3A_323 = arith.constant 0 : i32
          %dma_start3A_324 = tpu.memref_slice %arg2[%dma_start3A_322, %dma_start3A_323] : memref<20000x64xf32, #tpu.memory_space<hbm>> -> memref<20000x64xf32, #tpu.memory_space<hbm>>
          %dma_start3A_325 = tpu.memref_slice %arg12[%dma_start3A_314] : memref<4x!tpu.dma_semaphore, #tpu.memory_space<semaphore_mem>> -> memref<1x!tpu.dma_semaphore, #tpu.memory_space<semaphore_mem>>
          %dma_start3A_326 = tpu.memref_squeeze %dma_start3A_325 : memref<1x!tpu.dma_semaphore, #tpu.memory_space<semaphore_mem>> -> memref<!tpu.dma_semaphore, #tpu.memory_space<semaphore_mem>>
          tpu.enqueue_indirect_dma source(%dma_start3A_324 : memref<20000x64xf32, #tpu.memory_space<hbm>>) target(%dma_start3A_318 : memref<128x64xf32, #tpu.memory_space<vmem>>) offsets(%dma_start3A_321 : memref<128xi32, #tpu.memory_space<vmem>>) semaphore(%dma_start3A_326 : memref<!tpu.dma_semaphore, #tpu.memory_space<semaphore_mem>>)
        } else {
        }
        %dma_wait3A_256 = arith.constant 2 : i32
        %dma_wait3A_257 = arith.constant 2 : i32
        %dma_wait3A_258 = arith.constant 0 : i32
        %dma_wait3A_259 = arith.constant 0 : i32
        %dma_wait3A_260 = tpu.memref_slice %arg9[%dma_wait3A_256, %dma_wait3A_258, %dma_wait3A_259] : memref<4x128x64xf32, #tpu.memory_space<vmem>> -> memref<1x128x64xf32, #tpu.memory_space<vmem>>
        %dma_wait3A_261 = tpu.memref_squeeze %dma_wait3A_260 : memref<1x128x64xf32, #tpu.memory_space<vmem>> -> memref<128x64xf32, #tpu.memory_space<vmem>>
        %dma_wait3A_262 = arith.constant 0 : i32
        %dma_wait3A_263 = tpu.memref_slice %arg7[%add3A_237, %dma_wait3A_262] : memref<157x128xi32, #tpu.memory_space<vmem>> -> memref<1x128xi32, #tpu.memory_space<vmem>>
        %dma_wait3A_264 = tpu.memref_squeeze %dma_wait3A_263 : memref<1x128xi32, #tpu.memory_space<vmem>> -> memref<128xi32, #tpu.memory_space<vmem>>
        %dma_wait3A_265 = arith.constant 0 : i32
        %dma_wait3A_266 = arith.constant 0 : i32
        %dma_wait3A_267 = tpu.memref_slice %arg2[%dma_wait3A_265, %dma_wait3A_266] : memref<20000x64xf32, #tpu.memory_space<hbm>> -> memref<20000x64xf32, #tpu.memory_space<hbm>>
        %dma_wait3A_268 = tpu.memref_slice %arg12[%dma_wait3A_257] : memref<4x!tpu.dma_semaphore, #tpu.memory_space<semaphore_mem>> -> memref<1x!tpu.dma_semaphore, #tpu.memory_space<semaphore_mem>>
        %dma_wait3A_269 = tpu.memref_squeeze %dma_wait3A_268 : memref<1x!tpu.dma_semaphore, #tpu.memory_space<semaphore_mem>> -> memref<!tpu.dma_semaphore, #tpu.memory_space<semaphore_mem>>
        tpu.wait_indirect_dma semaphore(%dma_wait3A_269 : memref<!tpu.dma_semaphore, #tpu.memory_space<semaphore_mem>>) src(%dma_wait3A_267 : memref<20000x64xf32, #tpu.memory_space<hbm>>) dst(%dma_wait3A_261 : memref<128x64xf32, #tpu.memory_space<vmem>>)
        %dma_start3A_270 = arith.constant 2 : i32
        %dma_start3A_271 = arith.constant 2 : i32
        %dma_start3A_272 = arith.constant 0 : i32
        %dma_start3A_273 = arith.constant 0 : i32
        %dma_start3A_274 = tpu.memref_slice %arg9[%dma_start3A_270, %dma_start3A_272, %dma_start3A_273] : memref<4x128x64xf32, #tpu.memory_space<vmem>> -> memref<1x128x64xf32, #tpu.memory_space<vmem>>
        %dma_start3A_275 = tpu.memref_squeeze %dma_start3A_274 : memref<1x128x64xf32, #tpu.memory_space<vmem>> -> memref<128x64xf32, #tpu.memory_space<vmem>>
        %dma_start3A_276 = arith.constant 0 : i32
        %dma_start3A_277 = tpu.memref_slice %arg8[%add3A_237, %dma_start3A_276] : memref<157x128xi32, #tpu.memory_space<vmem>> -> memref<1x128xi32, #tpu.memory_space<vmem>>
        %dma_start3A_278 = tpu.memref_squeeze %dma_start3A_277 : memref<1x128xi32, #tpu.memory_space<vmem>> -> memref<128xi32, #tpu.memory_space<vmem>>
        %dma_start3A_279 = arith.constant 0 : i32
        %dma_start3A_280 = arith.constant 0 : i32
        %dma_start3A_281 = tpu.memref_slice %arg11[%dma_start3A_279, %dma_start3A_280] : memref<10000x64xf32, #tpu.memory_space<vmem_shared>> -> memref<10000x64xf32, #tpu.memory_space<vmem_shared>>
        %dma_start3A_282 = tpu.memref_slice %arg13[%dma_start3A_271] : memref<4x!tpu.dma_semaphore, #tpu.memory_space<semaphore_mem>> -> memref<1x!tpu.dma_semaphore, #tpu.memory_space<semaphore_mem>>
        %dma_start3A_283 = tpu.memref_squeeze %dma_start3A_282 : memref<1x!tpu.dma_semaphore, #tpu.memory_space<semaphore_mem>> -> memref<!tpu.dma_semaphore, #tpu.memory_space<semaphore_mem>>
        tpu.enqueue_indirect_dma source(%dma_start3A_275 : memref<128x64xf32, #tpu.memory_space<vmem>>) target(%dma_start3A_281 : memref<10000x64xf32, #tpu.memory_space<vmem_shared>>) offsets(%dma_start3A_278 : memref<128xi32, #tpu.memory_space<vmem>>) semaphore(%dma_start3A_283 : memref<!tpu.dma_semaphore, #tpu.memory_space<semaphore_mem>>) {add = true}
        %get3A = arith.index_cast %add3A_237 : i32 to index
        %get3A_284 = arith.constant 0 : index
        %get3A_285 = tpu.vector_load %arg8[%get3A, %get3A_284] {strides = array<i32>} : memref<157x128xi32, #tpu.memory_space<vmem>>, vector<16xi32>,
        tpu.vector_store_idx %arg10[%get3A_285], %broadcast_in_dim3A_47 {add = true} : memref<10000xf32, #tpu.memory_space<vmem>>[vector<16xi32>], vector<16xf32>,
        %get3A_286 = arith.index_cast %add3A_237 : i32 to index
        %get3A_287 = arith.constant 16 : index
        %get3A_288 = tpu.vector_load %arg8[%get3A_286, %get3A_287] {strides = array<i32>} : memref<157x128xi32, #tpu.memory_space<vmem>>, vector<16xi32>,
        tpu.vector_store_idx %arg10[%get3A_288], %broadcast_in_dim3A_47 {add = true} : memref<10000xf32, #tpu.memory_space<vmem>>[vector<16xi32>], vector<16xf32>,
        %get3A_289 = arith.index_cast %add3A_237 : i32 to index
        %get3A_290 = arith.constant 32 : index
        %get3A_291 = tpu.vector_load %arg8[%get3A_289, %get3A_290] {strides = array<i32>} : memref<157x128xi32, #tpu.memory_space<vmem>>, vector<16xi32>,
        tpu.vector_store_idx %arg10[%get3A_291], %broadcast_in_dim3A_47 {add = true} : memref<10000xf32, #tpu.memory_space<vmem>>[vector<16xi32>], vector<16xf32>,
        %get3A_292 = arith.index_cast %add3A_237 : i32 to index
        %get3A_293 = arith.constant 48 : index
        %get3A_294 = tpu.vector_load %arg8[%get3A_292, %get3A_293] {strides = array<i32>} : memref<157x128xi32, #tpu.memory_space<vmem>>, vector<16xi32>,
        tpu.vector_store_idx %arg10[%get3A_294], %broadcast_in_dim3A_47 {add = true} : memref<10000xf32, #tpu.memory_space<vmem>>[vector<16xi32>], vector<16xf32>,
        %get3A_295 = arith.index_cast %add3A_237 : i32 to index
        %get3A_296 = arith.constant 64 : index
        %get3A_297 = tpu.vector_load %arg8[%get3A_295, %get3A_296] {strides = array<i32>} : memref<157x128xi32, #tpu.memory_space<vmem>>, vector<16xi32>,
        tpu.vector_store_idx %arg10[%get3A_297], %broadcast_in_dim3A_47 {add = true} : memref<10000xf32, #tpu.memory_space<vmem>>[vector<16xi32>], vector<16xf32>,
        %get3A_298 = arith.index_cast %add3A_237 : i32 to index
        %get3A_299 = arith.constant 80 : index
        %get3A_300 = tpu.vector_load %arg8[%get3A_298, %get3A_299] {strides = array<i32>} : memref<157x128xi32, #tpu.memory_space<vmem>>, vector<16xi32>,
        tpu.vector_store_idx %arg10[%get3A_300], %broadcast_in_dim3A_47 {add = true} : memref<10000xf32, #tpu.memory_space<vmem>>[vector<16xi32>], vector<16xf32>,
        %get3A_301 = arith.index_cast %add3A_237 : i32 to index
        %get3A_302 = arith.constant 96 : index
        %get3A_303 = tpu.vector_load %arg8[%get3A_301, %get3A_302] {strides = array<i32>} : memref<157x128xi32, #tpu.memory_space<vmem>>, vector<16xi32>,
        tpu.vector_store_idx %arg10[%get3A_303], %broadcast_in_dim3A_47 {add = true} : memref<10000xf32, #tpu.memory_space<vmem>>[vector<16xi32>], vector<16xf32>,
        %get3A_304 = arith.index_cast %add3A_237 : i32 to index
        %get3A_305 = arith.constant 112 : index
        %get3A_306 = tpu.vector_load %arg8[%get3A_304, %get3A_305] {strides = array<i32>} : memref<157x128xi32, #tpu.memory_space<vmem>>, vector<16xi32>,
        tpu.vector_store_idx %arg10[%get3A_306], %broadcast_in_dim3A_47 {add = true} : memref<10000xf32, #tpu.memory_space<vmem>>[vector<16xi32>], vector<16xf32>,
      } else {
      }
      %mul3A_242 = arith.constant 4 : i32
      %mul3A_243 = arith.muli %while3A_218, %mul3A_242 : i32
      %add3A_244 = arith.constant 3 : i32
      %add3A_245 = arith.addi %mul3A_243, %add3A_244 : i32
      %lt3A_246 = arith.cmpi slt, %add3A_245, %sub3A_44 : i32
      %convert_element_type3A_247 = arith.extui %lt3A_246 : i1 to i32
      %cond3A_248 = arith.constant 0 : i32
      %cond3A_249 = arith.cmpi ne, %convert_element_type3A_247, %cond3A_248 : i32
      scf.if %cond3A_249 {
        %add3A_250 = arith.constant 3 : i32
        %add3A_251 = arith.addi %add3A_245, %add3A_250 : i32
        %lt3A_252 = arith.cmpi slt, %add3A_251, %sub3A_44 : i32
        %convert_element_type3A_253 = arith.extui %lt3A_252 : i1 to i32
        %cond3A_254 = arith.constant 0 : i32
        %cond3A_255 = arith.cmpi ne, %convert_element_type3A_253, %cond3A_254 : i32
        scf.if %cond3A_255 {
          %sub3A_307 = arith.constant 4 : i32
          %sub3A_308 = arith.subi %add3A_251, %sub3A_307 : i32
          %ge3A = arith.constant 0 : i32
          %ge3A_309 = arith.cmpi sge, %sub3A_308, %ge3A : i32
          %convert_element_type3A_310 = arith.extui %ge3A_309 : i1 to i32
          %cond3A_311 = arith.constant 0 : i32
          %cond3A_312 = arith.cmpi ne, %convert_element_type3A_310, %cond3A_311 : i32
          scf.if %cond3A_312 {
            %sub3A_327 = arith.constant 4 : i32
            %sub3A_328 = arith.subi %add3A_251, %sub3A_327 : i32
            %dma_wait3A_329 = arith.constant 2 : i32
            %dma_wait3A_330 = arith.constant 2 : i32
            %dma_wait3A_331 = arith.constant 0 : i32
            %dma_wait3A_332 = arith.constant 0 : i32
            %dma_wait3A_333 = tpu.memref_slice %arg9[%dma_wait3A_329, %dma_wait3A_331, %dma_wait3A_332] : memref<4x128x64xf32, #tpu.memory_space<vmem>> -> memref<1x128x64xf32, #tpu.memory_space<vmem>>
            %dma_wait3A_334 = tpu.memref_squeeze %dma_wait3A_333 : memref<1x128x64xf32, #tpu.memory_space<vmem>> -> memref<128x64xf32, #tpu.memory_space<vmem>>
            %dma_wait3A_335 = arith.constant 0 : i32
            %dma_wait3A_336 = tpu.memref_slice %arg8[%sub3A_328, %dma_wait3A_335] : memref<157x128xi32, #tpu.memory_space<vmem>> -> memref<1x128xi32, #tpu.memory_space<vmem>>
            %dma_wait3A_337 = tpu.memref_squeeze %dma_wait3A_336 : memref<1x128xi32, #tpu.memory_space<vmem>> -> memref<128xi32, #tpu.memory_space<vmem>>
            %dma_wait3A_338 = arith.constant 0 : i32
            %dma_wait3A_339 = arith.constant 0 : i32
            %dma_wait3A_340 = tpu.memref_slice %arg11[%dma_wait3A_338, %dma_wait3A_339] : memref<10000x64xf32, #tpu.memory_space<vmem_shared>> -> memref<10000x64xf32, #tpu.memory_space<vmem_shared>>
            %dma_wait3A_341 = tpu.memref_slice %arg13[%dma_wait3A_330] : memref<4x!tpu.dma_semaphore, #tpu.memory_space<semaphore_mem>> -> memref<1x!tpu.dma_semaphore, #tpu.memory_space<semaphore_mem>>
            %dma_wait3A_342 = tpu.memref_squeeze %dma_wait3A_341 : memref<1x!tpu.dma_semaphore, #tpu.memory_space<semaphore_mem>> -> memref<!tpu.dma_semaphore, #tpu.memory_space<semaphore_mem>>
            tpu.wait_indirect_dma semaphore(%dma_wait3A_342 : memref<!tpu.dma_semaphore, #tpu.memory_space<semaphore_mem>>) src(%dma_wait3A_334 : memref<128x64xf32, #tpu.memory_space<vmem>>) dst(%dma_wait3A_340 : memref<10000x64xf32, #tpu.memory_space<vmem_shared>>)
          } else {
          }
          %dma_start3A_313 = arith.constant 2 : i32
          %dma_start3A_314 = arith.constant 2 : i32
          %dma_start3A_315 = arith.constant 0 : i32
          %dma_start3A_316 = arith.constant 0 : i32
          %dma_start3A_317 = tpu.memref_slice %arg9[%dma_start3A_313, %dma_start3A_315, %dma_start3A_316] : memref<4x128x64xf32, #tpu.memory_space<vmem>> -> memref<1x128x64xf32, #tpu.memory_space<vmem>>
          %dma_start3A_318 = tpu.memref_squeeze %dma_start3A_317 : memref<1x128x64xf32, #tpu.memory_space<vmem>> -> memref<128x64xf32, #tpu.memory_space<vmem>>
          %dma_start3A_319 = arith.constant 0 : i32
          %dma_start3A_320 = tpu.memref_slice %arg7[%add3A_251, %dma_start3A_319] : memref<157x128xi32, #tpu.memory_space<vmem>> -> memref<1x128xi32, #tpu.memory_space<vmem>>
          %dma_start3A_321 = tpu.memref_squeeze %dma_start3A_320 : memref<1x128xi32, #tpu.memory_space<vmem>> -> memref<128xi32, #tpu.memory_space<vmem>>
          %dma_start3A_322 = arith.constant 0 : i32
          %dma_start3A_323 = arith.constant 0 : i32
          %dma_start3A_324 = tpu.memref_slice %arg2[%dma_start3A_322, %dma_start3A_323] : memref<20000x64xf32, #tpu.memory_space<hbm>> -> memref<20000x64xf32, #tpu.memory_space<hbm>>
          %dma_start3A_325 = tpu.memref_slice %arg12[%dma_start3A_314] : memref<4x!tpu.dma_semaphore, #tpu.memory_space<semaphore_mem>> -> memref<1x!tpu.dma_semaphore, #tpu.memory_space<semaphore_mem>>
          %dma_start3A_326 = tpu.memref_squeeze %dma_start3A_325 : memref<1x!tpu.dma_semaphore, #tpu.memory_space<semaphore_mem>> -> memref<!tpu.dma_semaphore, #tpu.memory_space<semaphore_mem>>
          tpu.enqueue_indirect_dma source(%dma_start3A_324 : memref<20000x64xf32, #tpu.memory_space<hbm>>) target(%dma_start3A_318 : memref<128x64xf32, #tpu.memory_space<vmem>>) offsets(%dma_start3A_321 : memref<128xi32, #tpu.memory_space<vmem>>) semaphore(%dma_start3A_326 : memref<!tpu.dma_semaphore, #tpu.memory_space<semaphore_mem>>)
        } else {
        }
        %dma_wait3A_256 = arith.constant 3 : i32
        %dma_wait3A_257 = arith.constant 3 : i32
        %dma_wait3A_258 = arith.constant 0 : i32
        %dma_wait3A_259 = arith.constant 0 : i32
        %dma_wait3A_260 = tpu.memref_slice %arg9[%dma_wait3A_256, %dma_wait3A_258, %dma_wait3A_259] : memref<4x128x64xf32, #tpu.memory_space<vmem>> -> memref<1x128x64xf32, #tpu.memory_space<vmem>>
        %dma_wait3A_261 = tpu.memref_squeeze %dma_wait3A_260 : memref<1x128x64xf32, #tpu.memory_space<vmem>> -> memref<128x64xf32, #tpu.memory_space<vmem>>
        %dma_wait3A_262 = arith.constant 0 : i32
        %dma_wait3A_263 = tpu.memref_slice %arg7[%add3A_245, %dma_wait3A_262] : memref<157x128xi32, #tpu.memory_space<vmem>> -> memref<1x128xi32, #tpu.memory_space<vmem>>
        %dma_wait3A_264 = tpu.memref_squeeze %dma_wait3A_263 : memref<1x128xi32, #tpu.memory_space<vmem>> -> memref<128xi32, #tpu.memory_space<vmem>>
        %dma_wait3A_265 = arith.constant 0 : i32
        %dma_wait3A_266 = arith.constant 0 : i32
        %dma_wait3A_267 = tpu.memref_slice %arg2[%dma_wait3A_265, %dma_wait3A_266] : memref<20000x64xf32, #tpu.memory_space<hbm>> -> memref<20000x64xf32, #tpu.memory_space<hbm>>
        %dma_wait3A_268 = tpu.memref_slice %arg12[%dma_wait3A_257] : memref<4x!tpu.dma_semaphore, #tpu.memory_space<semaphore_mem>> -> memref<1x!tpu.dma_semaphore, #tpu.memory_space<semaphore_mem>>
        %dma_wait3A_269 = tpu.memref_squeeze %dma_wait3A_268 : memref<1x!tpu.dma_semaphore, #tpu.memory_space<semaphore_mem>> -> memref<!tpu.dma_semaphore, #tpu.memory_space<semaphore_mem>>
        tpu.wait_indirect_dma semaphore(%dma_wait3A_269 : memref<!tpu.dma_semaphore, #tpu.memory_space<semaphore_mem>>) src(%dma_wait3A_267 : memref<20000x64xf32, #tpu.memory_space<hbm>>) dst(%dma_wait3A_261 : memref<128x64xf32, #tpu.memory_space<vmem>>)
        %dma_start3A_270 = arith.constant 3 : i32
        %dma_start3A_271 = arith.constant 3 : i32
        %dma_start3A_272 = arith.constant 0 : i32
        %dma_start3A_273 = arith.constant 0 : i32
        %dma_start3A_274 = tpu.memref_slice %arg9[%dma_start3A_270, %dma_start3A_272, %dma_start3A_273] : memref<4x128x64xf32, #tpu.memory_space<vmem>> -> memref<1x128x64xf32, #tpu.memory_space<vmem>>
        %dma_start3A_275 = tpu.memref_squeeze %dma_start3A_274 : memref<1x128x64xf32, #tpu.memory_space<vmem>> -> memref<128x64xf32, #tpu.memory_space<vmem>>
        %dma_start3A_276 = arith.constant 0 : i32
        %dma_start3A_277 = tpu.memref_slice %arg8[%add3A_245, %dma_start3A_276] : memref<157x128xi32, #tpu.memory_space<vmem>> -> memref<1x128xi32, #tpu.memory_space<vmem>>
        %dma_start3A_278 = tpu.memref_squeeze %dma_start3A_277 : memref<1x128xi32, #tpu.memory_space<vmem>> -> memref<128xi32, #tpu.memory_space<vmem>>
        %dma_start3A_279 = arith.constant 0 : i32
        %dma_start3A_280 = arith.constant 0 : i32
        %dma_start3A_281 = tpu.memref_slice %arg11[%dma_start3A_279, %dma_start3A_280] : memref<10000x64xf32, #tpu.memory_space<vmem_shared>> -> memref<10000x64xf32, #tpu.memory_space<vmem_shared>>
        %dma_start3A_282 = tpu.memref_slice %arg13[%dma_start3A_271] : memref<4x!tpu.dma_semaphore, #tpu.memory_space<semaphore_mem>> -> memref<1x!tpu.dma_semaphore, #tpu.memory_space<semaphore_mem>>
        %dma_start3A_283 = tpu.memref_squeeze %dma_start3A_282 : memref<1x!tpu.dma_semaphore, #tpu.memory_space<semaphore_mem>> -> memref<!tpu.dma_semaphore, #tpu.memory_space<semaphore_mem>>
        tpu.enqueue_indirect_dma source(%dma_start3A_275 : memref<128x64xf32, #tpu.memory_space<vmem>>) target(%dma_start3A_281 : memref<10000x64xf32, #tpu.memory_space<vmem_shared>>) offsets(%dma_start3A_278 : memref<128xi32, #tpu.memory_space<vmem>>) semaphore(%dma_start3A_283 : memref<!tpu.dma_semaphore, #tpu.memory_space<semaphore_mem>>) {add = true}
        %get3A = arith.index_cast %add3A_245 : i32 to index
        %get3A_284 = arith.constant 0 : index
        %get3A_285 = tpu.vector_load %arg8[%get3A, %get3A_284] {strides = array<i32>} : memref<157x128xi32, #tpu.memory_space<vmem>>, vector<16xi32>,
        tpu.vector_store_idx %arg10[%get3A_285], %broadcast_in_dim3A_47 {add = true} : memref<10000xf32, #tpu.memory_space<vmem>>[vector<16xi32>], vector<16xf32>,
        %get3A_286 = arith.index_cast %add3A_245 : i32 to index
        %get3A_287 = arith.constant 16 : index
        %get3A_288 = tpu.vector_load %arg8[%get3A_286, %get3A_287] {strides = array<i32>} : memref<157x128xi32, #tpu.memory_space<vmem>>, vector<16xi32>,
        tpu.vector_store_idx %arg10[%get3A_288], %broadcast_in_dim3A_47 {add = true} : memref<10000xf32, #tpu.memory_space<vmem>>[vector<16xi32>], vector<16xf32>,
        %get3A_289 = arith.index_cast %add3A_245 : i32 to index
        %get3A_290 = arith.constant 32 : index
        %get3A_291 = tpu.vector_load %arg8[%get3A_289, %get3A_290] {strides = array<i32>} : memref<157x128xi32, #tpu.memory_space<vmem>>, vector<16xi32>,
        tpu.vector_store_idx %arg10[%get3A_291], %broadcast_in_dim3A_47 {add = true} : memref<10000xf32, #tpu.memory_space<vmem>>[vector<16xi32>], vector<16xf32>,
        %get3A_292 = arith.index_cast %add3A_245 : i32 to index
        %get3A_293 = arith.constant 48 : index
        %get3A_294 = tpu.vector_load %arg8[%get3A_292, %get3A_293] {strides = array<i32>} : memref<157x128xi32, #tpu.memory_space<vmem>>, vector<16xi32>,
        tpu.vector_store_idx %arg10[%get3A_294], %broadcast_in_dim3A_47 {add = true} : memref<10000xf32, #tpu.memory_space<vmem>>[vector<16xi32>], vector<16xf32>,
        %get3A_295 = arith.index_cast %add3A_245 : i32 to index
        %get3A_296 = arith.constant 64 : index
        %get3A_297 = tpu.vector_load %arg8[%get3A_295, %get3A_296] {strides = array<i32>} : memref<157x128xi32, #tpu.memory_space<vmem>>, vector<16xi32>,
        tpu.vector_store_idx %arg10[%get3A_297], %broadcast_in_dim3A_47 {add = true} : memref<10000xf32, #tpu.memory_space<vmem>>[vector<16xi32>], vector<16xf32>,
        %get3A_298 = arith.index_cast %add3A_245 : i32 to index
        %get3A_299 = arith.constant 80 : index
        %get3A_300 = tpu.vector_load %arg8[%get3A_298, %get3A_299] {strides = array<i32>} : memref<157x128xi32, #tpu.memory_space<vmem>>, vector<16xi32>,
        tpu.vector_store_idx %arg10[%get3A_300], %broadcast_in_dim3A_47 {add = true} : memref<10000xf32, #tpu.memory_space<vmem>>[vector<16xi32>], vector<16xf32>,
        %get3A_301 = arith.index_cast %add3A_245 : i32 to index
        %get3A_302 = arith.constant 96 : index
        %get3A_303 = tpu.vector_load %arg8[%get3A_301, %get3A_302] {strides = array<i32>} : memref<157x128xi32, #tpu.memory_space<vmem>>, vector<16xi32>,
        tpu.vector_store_idx %arg10[%get3A_303], %broadcast_in_dim3A_47 {add = true} : memref<10000xf32, #tpu.memory_space<vmem>>[vector<16xi32>], vector<16xf32>,
        %get3A_304 = arith.index_cast %add3A_245 : i32 to index
        %get3A_305 = arith.constant 112 : index
        %get3A_306 = tpu.vector_load %arg8[%get3A_304, %get3A_305] {strides = array<i32>} : memref<157x128xi32, #tpu.memory_space<vmem>>, vector<16xi32>,
        tpu.vector_store_idx %arg10[%get3A_306], %broadcast_in_dim3A_47 {add = true} : memref<10000xf32, #tpu.memory_space<vmem>>[vector<16xi32>], vector<16xf32>,
      } else {
      }
    }
    %while3A_155 = arith.constant 1 : i32
    scf.for %while3A_218 = %while3A_153 to %while3A_149 step %while3A_155  : i32 {
      %mul3A_219 = arith.constant 4 : i32
      %mul3A_220 = arith.muli %while3A_218, %mul3A_219 : i32
      %add3A_221 = arith.constant 0 : i32
      %add3A_222 = arith.addi %mul3A_220, %add3A_221 : i32
      %lt3A = arith.cmpi slt, %add3A_222, %sub3A_44 : i32
      %convert_element_type3A_223 = arith.extui %lt3A : i1 to i32
      %cond3A_224 = arith.constant 0 : i32
      %cond3A_225 = arith.cmpi ne, %convert_element_type3A_223, %cond3A_224 : i32
      scf.if %cond3A_225 {
        %add3A_250 = arith.constant 3 : i32
        %add3A_251 = arith.addi %add3A_222, %add3A_250 : i32
        %lt3A_252 = arith.cmpi slt, %add3A_251, %sub3A_44 : i32
        %convert_element_type3A_253 = arith.extui %lt3A_252 : i1 to i32
        %cond3A_254 = arith.constant 0 : i32
        %cond3A_255 = arith.cmpi ne, %convert_element_type3A_253, %cond3A_254 : i32
        scf.if %cond3A_255 {
          %sub3A_307 = arith.constant 4 : i32
          %sub3A_308 = arith.subi %add3A_251, %sub3A_307 : i32
          %ge3A = arith.constant 0 : i32
          %ge3A_309 = arith.cmpi sge, %sub3A_308, %ge3A : i32
          %convert_element_type3A_310 = arith.extui %ge3A_309 : i1 to i32
          %cond3A_311 = arith.constant 0 : i32
          %cond3A_312 = arith.cmpi ne, %convert_element_type3A_310, %cond3A_311 : i32
          scf.if %cond3A_312 {
            %sub3A_327 = arith.constant 4 : i32
            %sub3A_328 = arith.subi %add3A_251, %sub3A_327 : i32
            %dma_wait3A_329 = arith.constant 3 : i32
            %dma_wait3A_330 = arith.constant 3 : i32
            %dma_wait3A_331 = arith.constant 0 : i32
            %dma_wait3A_332 = arith.constant 0 : i32
            %dma_wait3A_333 = tpu.memref_slice %arg9[%dma_wait3A_329, %dma_wait3A_331, %dma_wait3A_332] : memref<4x128x64xf32, #tpu.memory_space<vmem>> -> memref<1x128x64xf32, #tpu.memory_space<vmem>>
            %dma_wait3A_334 = tpu.memref_squeeze %dma_wait3A_333 : memref<1x128x64xf32, #tpu.memory_space<vmem>> -> memref<128x64xf32, #tpu.memory_space<vmem>>
            %dma_wait3A_335 = arith.constant 0 : i32
            %dma_wait3A_336 = tpu.memref_slice %arg8[%sub3A_328, %dma_wait3A_335] : memref<157x128xi32, #tpu.memory_space<vmem>> -> memref<1x128xi32, #tpu.memory_space<vmem>>
            %dma_wait3A_337 = tpu.memref_squeeze %dma_wait3A_336 : memref<1x128xi32, #tpu.memory_space<vmem>> -> memref<128xi32, #tpu.memory_space<vmem>>
            %dma_wait3A_338 = arith.constant 0 : i32
            %dma_wait3A_339 = arith.constant 0 : i32
            %dma_wait3A_340 = tpu.memref_slice %arg11[%dma_wait3A_338, %dma_wait3A_339] : memref<10000x64xf32, #tpu.memory_space<vmem_shared>> -> memref<10000x64xf32, #tpu.memory_space<vmem_shared>>
            %dma_wait3A_341 = tpu.memref_slice %arg13[%dma_wait3A_330] : memref<4x!tpu.dma_semaphore, #tpu.memory_space<semaphore_mem>> -> memref<1x!tpu.dma_semaphore, #tpu.memory_space<semaphore_mem>>
            %dma_wait3A_342 = tpu.memref_squeeze %dma_wait3A_341 : memref<1x!tpu.dma_semaphore, #tpu.memory_space<semaphore_mem>> -> memref<!tpu.dma_semaphore, #tpu.memory_space<semaphore_mem>>
            tpu.wait_indirect_dma semaphore(%dma_wait3A_342 : memref<!tpu.dma_semaphore, #tpu.memory_space<semaphore_mem>>) src(%dma_wait3A_334 : memref<128x64xf32, #tpu.memory_space<vmem>>) dst(%dma_wait3A_340 : memref<10000x64xf32, #tpu.memory_space<vmem_shared>>)
          } else {
          }
          %dma_start3A_313 = arith.constant 3 : i32
          %dma_start3A_314 = arith.constant 3 : i32
          %dma_start3A_315 = arith.constant 0 : i32
          %dma_start3A_316 = arith.constant 0 : i32
          %dma_start3A_317 = tpu.memref_slice %arg9[%dma_start3A_313, %dma_start3A_315, %dma_start3A_316] : memref<4x128x64xf32, #tpu.memory_space<vmem>> -> memref<1x128x64xf32, #tpu.memory_space<vmem>>
          %dma_start3A_318 = tpu.memref_squeeze %dma_start3A_317 : memref<1x128x64xf32, #tpu.memory_space<vmem>> -> memref<128x64xf32, #tpu.memory_space<vmem>>
          %dma_start3A_319 = arith.constant 0 : i32
          %dma_start3A_320 = tpu.memref_slice %arg7[%add3A_251, %dma_start3A_319] : memref<157x128xi32, #tpu.memory_space<vmem>> -> memref<1x128xi32, #tpu.memory_space<vmem>>
          %dma_start3A_321 = tpu.memref_squeeze %dma_start3A_320 : memref<1x128xi32, #tpu.memory_space<vmem>> -> memref<128xi32, #tpu.memory_space<vmem>>
          %dma_start3A_322 = arith.constant 0 : i32
          %dma_start3A_323 = arith.constant 0 : i32
          %dma_start3A_324 = tpu.memref_slice %arg2[%dma_start3A_322, %dma_start3A_323] : memref<20000x64xf32, #tpu.memory_space<hbm>> -> memref<20000x64xf32, #tpu.memory_space<hbm>>
          %dma_start3A_325 = tpu.memref_slice %arg12[%dma_start3A_314] : memref<4x!tpu.dma_semaphore, #tpu.memory_space<semaphore_mem>> -> memref<1x!tpu.dma_semaphore, #tpu.memory_space<semaphore_mem>>
          %dma_start3A_326 = tpu.memref_squeeze %dma_start3A_325 : memref<1x!tpu.dma_semaphore, #tpu.memory_space<semaphore_mem>> -> memref<!tpu.dma_semaphore, #tpu.memory_space<semaphore_mem>>
          tpu.enqueue_indirect_dma source(%dma_start3A_324 : memref<20000x64xf32, #tpu.memory_space<hbm>>) target(%dma_start3A_318 : memref<128x64xf32, #tpu.memory_space<vmem>>) offsets(%dma_start3A_321 : memref<128xi32, #tpu.memory_space<vmem>>) semaphore(%dma_start3A_326 : memref<!tpu.dma_semaphore, #tpu.memory_space<semaphore_mem>>)
        } else {
        }
        %dma_wait3A_256 = arith.constant 0 : i32
        %dma_wait3A_257 = arith.constant 0 : i32
        %dma_wait3A_258 = arith.constant 0 : i32
        %dma_wait3A_259 = arith.constant 0 : i32
        %dma_wait3A_260 = tpu.memref_slice %arg9[%dma_wait3A_256, %dma_wait3A_258, %dma_wait3A_259] : memref<4x128x64xf32, #tpu.memory_space<vmem>> -> memref<1x128x64xf32, #tpu.memory_space<vmem>>
        %dma_wait3A_261 = tpu.memref_squeeze %dma_wait3A_260 : memref<1x128x64xf32, #tpu.memory_space<vmem>> -> memref<128x64xf32, #tpu.memory_space<vmem>>
        %dma_wait3A_262 = arith.constant 0 : i32
        %dma_wait3A_263 = tpu.memref_slice %arg7[%add3A_222, %dma_wait3A_262] : memref<157x128xi32, #tpu.memory_space<vmem>> -> memref<1x128xi32, #tpu.memory_space<vmem>>
        %dma_wait3A_264 = tpu.memref_squeeze %dma_wait3A_263 : memref<1x128xi32, #tpu.memory_space<vmem>> -> memref<128xi32, #tpu.memory_space<vmem>>
        %dma_wait3A_265 = arith.constant 0 : i32
        %dma_wait3A_266 = arith.constant 0 : i32
        %dma_wait3A_267 = tpu.memref_slice %arg2[%dma_wait3A_265, %dma_wait3A_266] : memref<20000x64xf32, #tpu.memory_space<hbm>> -> memref<20000x64xf32, #tpu.memory_space<hbm>>
        %dma_wait3A_268 = tpu.memref_slice %arg12[%dma_wait3A_257] : memref<4x!tpu.dma_semaphore, #tpu.memory_space<semaphore_mem>> -> memref<1x!tpu.dma_semaphore, #tpu.memory_space<semaphore_mem>>
        %dma_wait3A_269 = tpu.memref_squeeze %dma_wait3A_268 : memref<1x!tpu.dma_semaphore, #tpu.memory_space<semaphore_mem>> -> memref<!tpu.dma_semaphore, #tpu.memory_space<semaphore_mem>>
        tpu.wait_indirect_dma semaphore(%dma_wait3A_269 : memref<!tpu.dma_semaphore, #tpu.memory_space<semaphore_mem>>) src(%dma_wait3A_267 : memref<20000x64xf32, #tpu.memory_space<hbm>>) dst(%dma_wait3A_261 : memref<128x64xf32, #tpu.memory_space<vmem>>)
        %dma_start3A_270 = arith.constant 0 : i32
        %dma_start3A_271 = arith.constant 0 : i32
        %dma_start3A_272 = arith.constant 0 : i32
        %dma_start3A_273 = arith.constant 0 : i32
        %dma_start3A_274 = tpu.memref_slice %arg9[%dma_start3A_270, %dma_start3A_272, %dma_start3A_273] : memref<4x128x64xf32, #tpu.memory_space<vmem>> -> memref<1x128x64xf32, #tpu.memory_space<vmem>>
        %dma_start3A_275 = tpu.memref_squeeze %dma_start3A_274 : memref<1x128x64xf32, #tpu.memory_space<vmem>> -> memref<128x64xf32, #tpu.memory_space<vmem>>
        %dma_start3A_276 = arith.constant 0 : i32
        %dma_start3A_277 = tpu.memref_slice %arg8[%add3A_222, %dma_start3A_276] : memref<157x128xi32, #tpu.memory_space<vmem>> -> memref<1x128xi32, #tpu.memory_space<vmem>>
        %dma_start3A_278 = tpu.memref_squeeze %dma_start3A_277 : memref<1x128xi32, #tpu.memory_space<vmem>> -> memref<128xi32, #tpu.memory_space<vmem>>
        %dma_start3A_279 = arith.constant 0 : i32
        %dma_start3A_280 = arith.constant 0 : i32
        %dma_start3A_281 = tpu.memref_slice %arg11[%dma_start3A_279, %dma_start3A_280] : memref<10000x64xf32, #tpu.memory_space<vmem_shared>> -> memref<10000x64xf32, #tpu.memory_space<vmem_shared>>
        %dma_start3A_282 = tpu.memref_slice %arg13[%dma_start3A_271] : memref<4x!tpu.dma_semaphore, #tpu.memory_space<semaphore_mem>> -> memref<1x!tpu.dma_semaphore, #tpu.memory_space<semaphore_mem>>
        %dma_start3A_283 = tpu.memref_squeeze %dma_start3A_282 : memref<1x!tpu.dma_semaphore, #tpu.memory_space<semaphore_mem>> -> memref<!tpu.dma_semaphore, #tpu.memory_space<semaphore_mem>>
        tpu.enqueue_indirect_dma source(%dma_start3A_275 : memref<128x64xf32, #tpu.memory_space<vmem>>) target(%dma_start3A_281 : memref<10000x64xf32, #tpu.memory_space<vmem_shared>>) offsets(%dma_start3A_278 : memref<128xi32, #tpu.memory_space<vmem>>) semaphore(%dma_start3A_283 : memref<!tpu.dma_semaphore, #tpu.memory_space<semaphore_mem>>) {add = true}
        %get3A = arith.index_cast %add3A_222 : i32 to index
        %get3A_284 = arith.constant 0 : index
        %get3A_285 = tpu.vector_load %arg8[%get3A, %get3A_284] {strides = array<i32>} : memref<157x128xi32, #tpu.memory_space<vmem>>, vector<16xi32>,
        tpu.vector_store_idx %arg10[%get3A_285], %broadcast_in_dim3A_47 {add = true} : memref<10000xf32, #tpu.memory_space<vmem>>[vector<16xi32>], vector<16xf32>,
        %get3A_286 = arith.index_cast %add3A_222 : i32 to index
        %get3A_287 = arith.constant 16 : index
        %get3A_288 = tpu.vector_load %arg8[%get3A_286, %get3A_287] {strides = array<i32>} : memref<157x128xi32, #tpu.memory_space<vmem>>, vector<16xi32>,
        tpu.vector_store_idx %arg10[%get3A_288], %broadcast_in_dim3A_47 {add = true} : memref<10000xf32, #tpu.memory_space<vmem>>[vector<16xi32>], vector<16xf32>,
        %get3A_289 = arith.index_cast %add3A_222 : i32 to index
        %get3A_290 = arith.constant 32 : index
        %get3A_291 = tpu.vector_load %arg8[%get3A_289, %get3A_290] {strides = array<i32>} : memref<157x128xi32, #tpu.memory_space<vmem>>, vector<16xi32>,
        tpu.vector_store_idx %arg10[%get3A_291], %broadcast_in_dim3A_47 {add = true} : memref<10000xf32, #tpu.memory_space<vmem>>[vector<16xi32>], vector<16xf32>,
        %get3A_292 = arith.index_cast %add3A_222 : i32 to index
        %get3A_293 = arith.constant 48 : index
        %get3A_294 = tpu.vector_load %arg8[%get3A_292, %get3A_293] {strides = array<i32>} : memref<157x128xi32, #tpu.memory_space<vmem>>, vector<16xi32>,
        tpu.vector_store_idx %arg10[%get3A_294], %broadcast_in_dim3A_47 {add = true} : memref<10000xf32, #tpu.memory_space<vmem>>[vector<16xi32>], vector<16xf32>,
        %get3A_295 = arith.index_cast %add3A_222 : i32 to index
        %get3A_296 = arith.constant 64 : index
        %get3A_297 = tpu.vector_load %arg8[%get3A_295, %get3A_296] {strides = array<i32>} : memref<157x128xi32, #tpu.memory_space<vmem>>, vector<16xi32>,
        tpu.vector_store_idx %arg10[%get3A_297], %broadcast_in_dim3A_47 {add = true} : memref<10000xf32, #tpu.memory_space<vmem>>[vector<16xi32>], vector<16xf32>,
        %get3A_298 = arith.index_cast %add3A_222 : i32 to index
        %get3A_299 = arith.constant 80 : index
        %get3A_300 = tpu.vector_load %arg8[%get3A_298, %get3A_299] {strides = array<i32>} : memref<157x128xi32, #tpu.memory_space<vmem>>, vector<16xi32>,
        tpu.vector_store_idx %arg10[%get3A_300], %broadcast_in_dim3A_47 {add = true} : memref<10000xf32, #tpu.memory_space<vmem>>[vector<16xi32>], vector<16xf32>,
        %get3A_301 = arith.index_cast %add3A_222 : i32 to index
        %get3A_302 = arith.constant 96 : index
        %get3A_303 = tpu.vector_load %arg8[%get3A_301, %get3A_302] {strides = array<i32>} : memref<157x128xi32, #tpu.memory_space<vmem>>, vector<16xi32>,
        tpu.vector_store_idx %arg10[%get3A_303], %broadcast_in_dim3A_47 {add = true} : memref<10000xf32, #tpu.memory_space<vmem>>[vector<16xi32>], vector<16xf32>,
        %get3A_304 = arith.index_cast %add3A_222 : i32 to index
        %get3A_305 = arith.constant 112 : index
        %get3A_306 = tpu.vector_load %arg8[%get3A_304, %get3A_305] {strides = array<i32>} : memref<157x128xi32, #tpu.memory_space<vmem>>, vector<16xi32>,
        tpu.vector_store_idx %arg10[%get3A_306], %broadcast_in_dim3A_47 {add = true} : memref<10000xf32, #tpu.memory_space<vmem>>[vector<16xi32>], vector<16xf32>,
      } else {
      }
      %mul3A_226 = arith.constant 4 : i32
      %mul3A_227 = arith.muli %while3A_218, %mul3A_226 : i32
      %add3A_228 = arith.constant 1 : i32
      %add3A_229 = arith.addi %mul3A_227, %add3A_228 : i32
      %lt3A_230 = arith.cmpi slt, %add3A_229, %sub3A_44 : i32
      %convert_element_type3A_231 = arith.extui %lt3A_230 : i1 to i32
      %cond3A_232 = arith.constant 0 : i32
      %cond3A_233 = arith.cmpi ne, %convert_element_type3A_231, %cond3A_232 : i32
      scf.if %cond3A_233 {
        %add3A_250 = arith.constant 3 : i32
        %add3A_251 = arith.addi %add3A_229, %add3A_250 : i32
        %lt3A_252 = arith.cmpi slt, %add3A_251, %sub3A_44 : i32
        %convert_element_type3A_253 = arith.extui %lt3A_252 : i1 to i32
        %cond3A_254 = arith.constant 0 : i32
        %cond3A_255 = arith.cmpi ne, %convert_element_type3A_253, %cond3A_254 : i32
        scf.if %cond3A_255 {
          %sub3A_307 = arith.constant 4 : i32
          %sub3A_308 = arith.subi %add3A_251, %sub3A_307 : i32
          %ge3A = arith.constant 0 : i32
          %ge3A_309 = arith.cmpi sge, %sub3A_308, %ge3A : i32
          %convert_element_type3A_310 = arith.extui %ge3A_309 : i1 to i32
          %cond3A_311 = arith.constant 0 : i32
          %cond3A_312 = arith.cmpi ne, %convert_element_type3A_310, %cond3A_311 : i32
          scf.if %cond3A_312 {
            %sub3A_327 = arith.constant 4 : i32
            %sub3A_328 = arith.subi %add3A_251, %sub3A_327 : i32
            %dma_wait3A_329 = arith.constant 0 : i32
            %dma_wait3A_330 = arith.constant 0 : i32
            %dma_wait3A_331 = arith.constant 0 : i32
            %dma_wait3A_332 = arith.constant 0 : i32
            %dma_wait3A_333 = tpu.memref_slice %arg9[%dma_wait3A_329, %dma_wait3A_331, %dma_wait3A_332] : memref<4x128x64xf32, #tpu.memory_space<vmem>> -> memref<1x128x64xf32, #tpu.memory_space<vmem>>
            %dma_wait3A_334 = tpu.memref_squeeze %dma_wait3A_333 : memref<1x128x64xf32, #tpu.memory_space<vmem>> -> memref<128x64xf32, #tpu.memory_space<vmem>>
            %dma_wait3A_335 = arith.constant 0 : i32
            %dma_wait3A_336 = tpu.memref_slice %arg8[%sub3A_328, %dma_wait3A_335] : memref<157x128xi32, #tpu.memory_space<vmem>> -> memref<1x128xi32, #tpu.memory_space<vmem>>
            %dma_wait3A_337 = tpu.memref_squeeze %dma_wait3A_336 : memref<1x128xi32, #tpu.memory_space<vmem>> -> memref<128xi32, #tpu.memory_space<vmem>>
            %dma_wait3A_338 = arith.constant 0 : i32
            %dma_wait3A_339 = arith.constant 0 : i32
            %dma_wait3A_340 = tpu.memref_slice %arg11[%dma_wait3A_338, %dma_wait3A_339] : memref<10000x64xf32, #tpu.memory_space<vmem_shared>> -> memref<10000x64xf32, #tpu.memory_space<vmem_shared>>
            %dma_wait3A_341 = tpu.memref_slice %arg13[%dma_wait3A_330] : memref<4x!tpu.dma_semaphore, #tpu.memory_space<semaphore_mem>> -> memref<1x!tpu.dma_semaphore, #tpu.memory_space<semaphore_mem>>
            %dma_wait3A_342 = tpu.memref_squeeze %dma_wait3A_341 : memref<1x!tpu.dma_semaphore, #tpu.memory_space<semaphore_mem>> -> memref<!tpu.dma_semaphore, #tpu.memory_space<semaphore_mem>>
            tpu.wait_indirect_dma semaphore(%dma_wait3A_342 : memref<!tpu.dma_semaphore, #tpu.memory_space<semaphore_mem>>) src(%dma_wait3A_334 : memref<128x64xf32, #tpu.memory_space<vmem>>) dst(%dma_wait3A_340 : memref<10000x64xf32, #tpu.memory_space<vmem_shared>>)
          } else {
          }
          %dma_start3A_313 = arith.constant 0 : i32
          %dma_start3A_314 = arith.constant 0 : i32
          %dma_start3A_315 = arith.constant 0 : i32
          %dma_start3A_316 = arith.constant 0 : i32
          %dma_start3A_317 = tpu.memref_slice %arg9[%dma_start3A_313, %dma_start3A_315, %dma_start3A_316] : memref<4x128x64xf32, #tpu.memory_space<vmem>> -> memref<1x128x64xf32, #tpu.memory_space<vmem>>
          %dma_start3A_318 = tpu.memref_squeeze %dma_start3A_317 : memref<1x128x64xf32, #tpu.memory_space<vmem>> -> memref<128x64xf32, #tpu.memory_space<vmem>>
          %dma_start3A_319 = arith.constant 0 : i32
          %dma_start3A_320 = tpu.memref_slice %arg7[%add3A_251, %dma_start3A_319] : memref<157x128xi32, #tpu.memory_space<vmem>> -> memref<1x128xi32, #tpu.memory_space<vmem>>
          %dma_start3A_321 = tpu.memref_squeeze %dma_start3A_320 : memref<1x128xi32, #tpu.memory_space<vmem>> -> memref<128xi32, #tpu.memory_space<vmem>>
          %dma_start3A_322 = arith.constant 0 : i32
          %dma_start3A_323 = arith.constant 0 : i32
          %dma_start3A_324 = tpu.memref_slice %arg2[%dma_start3A_322, %dma_start3A_323] : memref<20000x64xf32, #tpu.memory_space<hbm>> -> memref<20000x64xf32, #tpu.memory_space<hbm>>
          %dma_start3A_325 = tpu.memref_slice %arg12[%dma_start3A_314] : memref<4x!tpu.dma_semaphore, #tpu.memory_space<semaphore_mem>> -> memref<1x!tpu.dma_semaphore, #tpu.memory_space<semaphore_mem>>
          %dma_start3A_326 = tpu.memref_squeeze %dma_start3A_325 : memref<1x!tpu.dma_semaphore, #tpu.memory_space<semaphore_mem>> -> memref<!tpu.dma_semaphore, #tpu.memory_space<semaphore_mem>>
          tpu.enqueue_indirect_dma source(%dma_start3A_324 : memref<20000x64xf32, #tpu.memory_space<hbm>>) target(%dma_start3A_318 : memref<128x64xf32, #tpu.memory_space<vmem>>) offsets(%dma_start3A_321 : memref<128xi32, #tpu.memory_space<vmem>>) semaphore(%dma_start3A_326 : memref<!tpu.dma_semaphore, #tpu.memory_space<semaphore_mem>>)
        } else {
        }
        %dma_wait3A_256 = arith.constant 1 : i32
        %dma_wait3A_257 = arith.constant 1 : i32
        %dma_wait3A_258 = arith.constant 0 : i32
        %dma_wait3A_259 = arith.constant 0 : i32
        %dma_wait3A_260 = tpu.memref_slice %arg9[%dma_wait3A_256, %dma_wait3A_258, %dma_wait3A_259] : memref<4x128x64xf32, #tpu.memory_space<vmem>> -> memref<1x128x64xf32, #tpu.memory_space<vmem>>
        %dma_wait3A_261 = tpu.memref_squeeze %dma_wait3A_260 : memref<1x128x64xf32, #tpu.memory_space<vmem>> -> memref<128x64xf32, #tpu.memory_space<vmem>>
        %dma_wait3A_262 = arith.constant 0 : i32
        %dma_wait3A_263 = tpu.memref_slice %arg7[%add3A_229, %dma_wait3A_262] : memref<157x128xi32, #tpu.memory_space<vmem>> -> memref<1x128xi32, #tpu.memory_space<vmem>>
        %dma_wait3A_264 = tpu.memref_squeeze %dma_wait3A_263 : memref<1x128xi32, #tpu.memory_space<vmem>> -> memref<128xi32, #tpu.memory_space<vmem>>
        %dma_wait3A_265 = arith.constant 0 : i32
        %dma_wait3A_266 = arith.constant 0 : i32
        %dma_wait3A_267 = tpu.memref_slice %arg2[%dma_wait3A_265, %dma_wait3A_266] : memref<20000x64xf32, #tpu.memory_space<hbm>> -> memref<20000x64xf32, #tpu.memory_space<hbm>>
        %dma_wait3A_268 = tpu.memref_slice %arg12[%dma_wait3A_257] : memref<4x!tpu.dma_semaphore, #tpu.memory_space<semaphore_mem>> -> memref<1x!tpu.dma_semaphore, #tpu.memory_space<semaphore_mem>>
        %dma_wait3A_269 = tpu.memref_squeeze %dma_wait3A_268 : memref<1x!tpu.dma_semaphore, #tpu.memory_space<semaphore_mem>> -> memref<!tpu.dma_semaphore, #tpu.memory_space<semaphore_mem>>
        tpu.wait_indirect_dma semaphore(%dma_wait3A_269 : memref<!tpu.dma_semaphore, #tpu.memory_space<semaphore_mem>>) src(%dma_wait3A_267 : memref<20000x64xf32, #tpu.memory_space<hbm>>) dst(%dma_wait3A_261 : memref<128x64xf32, #tpu.memory_space<vmem>>)
        %dma_start3A_270 = arith.constant 1 : i32
        %dma_start3A_271 = arith.constant 1 : i32
        %dma_start3A_272 = arith.constant 0 : i32
        %dma_start3A_273 = arith.constant 0 : i32
        %dma_start3A_274 = tpu.memref_slice %arg9[%dma_start3A_270, %dma_start3A_272, %dma_start3A_273] : memref<4x128x64xf32, #tpu.memory_space<vmem>> -> memref<1x128x64xf32, #tpu.memory_space<vmem>>
        %dma_start3A_275 = tpu.memref_squeeze %dma_start3A_274 : memref<1x128x64xf32, #tpu.memory_space<vmem>> -> memref<128x64xf32, #tpu.memory_space<vmem>>
        %dma_start3A_276 = arith.constant 0 : i32
        %dma_start3A_277 = tpu.memref_slice %arg8[%add3A_229, %dma_start3A_276] : memref<157x128xi32, #tpu.memory_space<vmem>> -> memref<1x128xi32, #tpu.memory_space<vmem>>
        %dma_start3A_278 = tpu.memref_squeeze %dma_start3A_277 : memref<1x128xi32, #tpu.memory_space<vmem>> -> memref<128xi32, #tpu.memory_space<vmem>>
        %dma_start3A_279 = arith.constant 0 : i32
        %dma_start3A_280 = arith.constant 0 : i32
        %dma_start3A_281 = tpu.memref_slice %arg11[%dma_start3A_279, %dma_start3A_280] : memref<10000x64xf32, #tpu.memory_space<vmem_shared>> -> memref<10000x64xf32, #tpu.memory_space<vmem_shared>>
        %dma_start3A_282 = tpu.memref_slice %arg13[%dma_start3A_271] : memref<4x!tpu.dma_semaphore, #tpu.memory_space<semaphore_mem>> -> memref<1x!tpu.dma_semaphore, #tpu.memory_space<semaphore_mem>>
        %dma_start3A_283 = tpu.memref_squeeze %dma_start3A_282 : memref<1x!tpu.dma_semaphore, #tpu.memory_space<semaphore_mem>> -> memref<!tpu.dma_semaphore, #tpu.memory_space<semaphore_mem>>
        tpu.enqueue_indirect_dma source(%dma_start3A_275 : memref<128x64xf32, #tpu.memory_space<vmem>>) target(%dma_start3A_281 : memref<10000x64xf32, #tpu.memory_space<vmem_shared>>) offsets(%dma_start3A_278 : memref<128xi32, #tpu.memory_space<vmem>>) semaphore(%dma_start3A_283 : memref<!tpu.dma_semaphore, #tpu.memory_space<semaphore_mem>>) {add = true}
        %get3A = arith.index_cast %add3A_229 : i32 to index
        %get3A_284 = arith.constant 0 : index
        %get3A_285 = tpu.vector_load %arg8[%get3A, %get3A_284] {strides = array<i32>} : memref<157x128xi32, #tpu.memory_space<vmem>>, vector<16xi32>,
        tpu.vector_store_idx %arg10[%get3A_285], %broadcast_in_dim3A_47 {add = true} : memref<10000xf32, #tpu.memory_space<vmem>>[vector<16xi32>], vector<16xf32>,
        %get3A_286 = arith.index_cast %add3A_229 : i32 to index
        %get3A_287 = arith.constant 16 : index
        %get3A_288 = tpu.vector_load %arg8[%get3A_286, %get3A_287] {strides = array<i32>} : memref<157x128xi32, #tpu.memory_space<vmem>>, vector<16xi32>,
        tpu.vector_store_idx %arg10[%get3A_288], %broadcast_in_dim3A_47 {add = true} : memref<10000xf32, #tpu.memory_space<vmem>>[vector<16xi32>], vector<16xf32>,
        %get3A_289 = arith.index_cast %add3A_229 : i32 to index
        %get3A_290 = arith.constant 32 : index
        %get3A_291 = tpu.vector_load %arg8[%get3A_289, %get3A_290] {strides = array<i32>} : memref<157x128xi32, #tpu.memory_space<vmem>>, vector<16xi32>,
        tpu.vector_store_idx %arg10[%get3A_291], %broadcast_in_dim3A_47 {add = true} : memref<10000xf32, #tpu.memory_space<vmem>>[vector<16xi32>], vector<16xf32>,
        %get3A_292 = arith.index_cast %add3A_229 : i32 to index
        %get3A_293 = arith.constant 48 : index
        %get3A_294 = tpu.vector_load %arg8[%get3A_292, %get3A_293] {strides = array<i32>} : memref<157x128xi32, #tpu.memory_space<vmem>>, vector<16xi32>,
        tpu.vector_store_idx %arg10[%get3A_294], %broadcast_in_dim3A_47 {add = true} : memref<10000xf32, #tpu.memory_space<vmem>>[vector<16xi32>], vector<16xf32>,
        %get3A_295 = arith.index_cast %add3A_229 : i32 to index
        %get3A_296 = arith.constant 64 : index
        %get3A_297 = tpu.vector_load %arg8[%get3A_295, %get3A_296] {strides = array<i32>} : memref<157x128xi32, #tpu.memory_space<vmem>>, vector<16xi32>,
        tpu.vector_store_idx %arg10[%get3A_297], %broadcast_in_dim3A_47 {add = true} : memref<10000xf32, #tpu.memory_space<vmem>>[vector<16xi32>], vector<16xf32>,
        %get3A_298 = arith.index_cast %add3A_229 : i32 to index
        %get3A_299 = arith.constant 80 : index
        %get3A_300 = tpu.vector_load %arg8[%get3A_298, %get3A_299] {strides = array<i32>} : memref<157x128xi32, #tpu.memory_space<vmem>>, vector<16xi32>,
        tpu.vector_store_idx %arg10[%get3A_300], %broadcast_in_dim3A_47 {add = true} : memref<10000xf32, #tpu.memory_space<vmem>>[vector<16xi32>], vector<16xf32>,
        %get3A_301 = arith.index_cast %add3A_229 : i32 to index
        %get3A_302 = arith.constant 96 : index
        %get3A_303 = tpu.vector_load %arg8[%get3A_301, %get3A_302] {strides = array<i32>} : memref<157x128xi32, #tpu.memory_space<vmem>>, vector<16xi32>,
        tpu.vector_store_idx %arg10[%get3A_303], %broadcast_in_dim3A_47 {add = true} : memref<10000xf32, #tpu.memory_space<vmem>>[vector<16xi32>], vector<16xf32>,
        %get3A_304 = arith.index_cast %add3A_229 : i32 to index
        %get3A_305 = arith.constant 112 : index
        %get3A_306 = tpu.vector_load %arg8[%get3A_304, %get3A_305] {strides = array<i32>} : memref<157x128xi32, #tpu.memory_space<vmem>>, vector<16xi32>,
        tpu.vector_store_idx %arg10[%get3A_306], %broadcast_in_dim3A_47 {add = true} : memref<10000xf32, #tpu.memory_space<vmem>>[vector<16xi32>], vector<16xf32>,
      } else {
      }
      %mul3A_234 = arith.constant 4 : i32
      %mul3A_235 = arith.muli %while3A_218, %mul3A_234 : i32
      %add3A_236 = arith.constant 2 : i32
      %add3A_237 = arith.addi %mul3A_235, %add3A_236 : i32
      %lt3A_238 = arith.cmpi slt, %add3A_237, %sub3A_44 : i32
      %convert_element_type3A_239 = arith.extui %lt3A_238 : i1 to i32
      %cond3A_240 = arith.constant 0 : i32
      %cond3A_241 = arith.cmpi ne, %convert_element_type3A_239, %cond3A_240 : i32
      scf.if %cond3A_241 {
        %add3A_250 = arith.constant 3 : i32
        %add3A_251 = arith.addi %add3A_237, %add3A_250 : i32
        %lt3A_252 = arith.cmpi slt, %add3A_251, %sub3A_44 : i32
        %convert_element_type3A_253 = arith.extui %lt3A_252 : i1 to i32
        %cond3A_254 = arith.constant 0 : i32
        %cond3A_255 = arith.cmpi ne, %convert_element_type3A_253, %cond3A_254 : i32
        scf.if %cond3A_255 {
          %sub3A_307 = arith.constant 4 : i32
          %sub3A_308 = arith.subi %add3A_251, %sub3A_307 : i32
          %ge3A = arith.constant 0 : i32
          %ge3A_309 = arith.cmpi sge, %sub3A_308, %ge3A : i32
          %convert_element_type3A_310 = arith.extui %ge3A_309 : i1 to i32
          %cond3A_311 = arith.constant 0 : i32
          %cond3A_312 = arith.cmpi ne, %convert_element_type3A_310, %cond3A_311 : i32
          scf.if %cond3A_312 {
            %sub3A_327 = arith.constant 4 : i32
            %sub3A_328 = arith.subi %add3A_251, %sub3A_327 : i32
            %dma_wait3A_329 = arith.constant 1 : i32
            %dma_wait3A_330 = arith.constant 1 : i32
            %dma_wait3A_331 = arith.constant 0 : i32
            %dma_wait3A_332 = arith.constant 0 : i32
            %dma_wait3A_333 = tpu.memref_slice %arg9[%dma_wait3A_329, %dma_wait3A_331, %dma_wait3A_332] : memref<4x128x64xf32, #tpu.memory_space<vmem>> -> memref<1x128x64xf32, #tpu.memory_space<vmem>>
            %dma_wait3A_334 = tpu.memref_squeeze %dma_wait3A_333 : memref<1x128x64xf32, #tpu.memory_space<vmem>> -> memref<128x64xf32, #tpu.memory_space<vmem>>
            %dma_wait3A_335 = arith.constant 0 : i32
            %dma_wait3A_336 = tpu.memref_slice %arg8[%sub3A_328, %dma_wait3A_335] : memref<157x128xi32, #tpu.memory_space<vmem>> -> memref<1x128xi32, #tpu.memory_space<vmem>>
            %dma_wait3A_337 = tpu.memref_squeeze %dma_wait3A_336 : memref<1x128xi32, #tpu.memory_space<vmem>> -> memref<128xi32, #tpu.memory_space<vmem>>
            %dma_wait3A_338 = arith.constant 0 : i32
            %dma_wait3A_339 = arith.constant 0 : i32
            %dma_wait3A_340 = tpu.memref_slice %arg11[%dma_wait3A_338, %dma_wait3A_339] : memref<10000x64xf32, #tpu.memory_space<vmem_shared>> -> memref<10000x64xf32, #tpu.memory_space<vmem_shared>>
            %dma_wait3A_341 = tpu.memref_slice %arg13[%dma_wait3A_330] : memref<4x!tpu.dma_semaphore, #tpu.memory_space<semaphore_mem>> -> memref<1x!tpu.dma_semaphore, #tpu.memory_space<semaphore_mem>>
            %dma_wait3A_342 = tpu.memref_squeeze %dma_wait3A_341 : memref<1x!tpu.dma_semaphore, #tpu.memory_space<semaphore_mem>> -> memref<!tpu.dma_semaphore, #tpu.memory_space<semaphore_mem>>
            tpu.wait_indirect_dma semaphore(%dma_wait3A_342 : memref<!tpu.dma_semaphore, #tpu.memory_space<semaphore_mem>>) src(%dma_wait3A_334 : memref<128x64xf32, #tpu.memory_space<vmem>>) dst(%dma_wait3A_340 : memref<10000x64xf32, #tpu.memory_space<vmem_shared>>)
          } else {
          }
          %dma_start3A_313 = arith.constant 1 : i32
          %dma_start3A_314 = arith.constant 1 : i32
          %dma_start3A_315 = arith.constant 0 : i32
          %dma_start3A_316 = arith.constant 0 : i32
          %dma_start3A_317 = tpu.memref_slice %arg9[%dma_start3A_313, %dma_start3A_315, %dma_start3A_316] : memref<4x128x64xf32, #tpu.memory_space<vmem>> -> memref<1x128x64xf32, #tpu.memory_space<vmem>>
          %dma_start3A_318 = tpu.memref_squeeze %dma_start3A_317 : memref<1x128x64xf32, #tpu.memory_space<vmem>> -> memref<128x64xf32, #tpu.memory_space<vmem>>
          %dma_start3A_319 = arith.constant 0 : i32
          %dma_start3A_320 = tpu.memref_slice %arg7[%add3A_251, %dma_start3A_319] : memref<157x128xi32, #tpu.memory_space<vmem>> -> memref<1x128xi32, #tpu.memory_space<vmem>>
          %dma_start3A_321 = tpu.memref_squeeze %dma_start3A_320 : memref<1x128xi32, #tpu.memory_space<vmem>> -> memref<128xi32, #tpu.memory_space<vmem>>
          %dma_start3A_322 = arith.constant 0 : i32
          %dma_start3A_323 = arith.constant 0 : i32
          %dma_start3A_324 = tpu.memref_slice %arg2[%dma_start3A_322, %dma_start3A_323] : memref<20000x64xf32, #tpu.memory_space<hbm>> -> memref<20000x64xf32, #tpu.memory_space<hbm>>
          %dma_start3A_325 = tpu.memref_slice %arg12[%dma_start3A_314] : memref<4x!tpu.dma_semaphore, #tpu.memory_space<semaphore_mem>> -> memref<1x!tpu.dma_semaphore, #tpu.memory_space<semaphore_mem>>
          %dma_start3A_326 = tpu.memref_squeeze %dma_start3A_325 : memref<1x!tpu.dma_semaphore, #tpu.memory_space<semaphore_mem>> -> memref<!tpu.dma_semaphore, #tpu.memory_space<semaphore_mem>>
          tpu.enqueue_indirect_dma source(%dma_start3A_324 : memref<20000x64xf32, #tpu.memory_space<hbm>>) target(%dma_start3A_318 : memref<128x64xf32, #tpu.memory_space<vmem>>) offsets(%dma_start3A_321 : memref<128xi32, #tpu.memory_space<vmem>>) semaphore(%dma_start3A_326 : memref<!tpu.dma_semaphore, #tpu.memory_space<semaphore_mem>>)
        } else {
        }
        %dma_wait3A_256 = arith.constant 2 : i32
        %dma_wait3A_257 = arith.constant 2 : i32
        %dma_wait3A_258 = arith.constant 0 : i32
        %dma_wait3A_259 = arith.constant 0 : i32
        %dma_wait3A_260 = tpu.memref_slice %arg9[%dma_wait3A_256, %dma_wait3A_258, %dma_wait3A_259] : memref<4x128x64xf32, #tpu.memory_space<vmem>> -> memref<1x128x64xf32, #tpu.memory_space<vmem>>
        %dma_wait3A_261 = tpu.memref_squeeze %dma_wait3A_260 : memref<1x128x64xf32, #tpu.memory_space<vmem>> -> memref<128x64xf32, #tpu.memory_space<vmem>>
        %dma_wait3A_262 = arith.constant 0 : i32
        %dma_wait3A_263 = tpu.memref_slice %arg7[%add3A_237, %dma_wait3A_262] : memref<157x128xi32, #tpu.memory_space<vmem>> -> memref<1x128xi32, #tpu.memory_space<vmem>>
        %dma_wait3A_264 = tpu.memref_squeeze %dma_wait3A_263 : memref<1x128xi32, #tpu.memory_space<vmem>> -> memref<128xi32, #tpu.memory_space<vmem>>
        %dma_wait3A_265 = arith.constant 0 : i32
        %dma_wait3A_266 = arith.constant 0 : i32
        %dma_wait3A_267 = tpu.memref_slice %arg2[%dma_wait3A_265, %dma_wait3A_266] : memref<20000x64xf32, #tpu.memory_space<hbm>> -> memref<20000x64xf32, #tpu.memory_space<hbm>>
        %dma_wait3A_268 = tpu.memref_slice %arg12[%dma_wait3A_257] : memref<4x!tpu.dma_semaphore, #tpu.memory_space<semaphore_mem>> -> memref<1x!tpu.dma_semaphore, #tpu.memory_space<semaphore_mem>>
        %dma_wait3A_269 = tpu.memref_squeeze %dma_wait3A_268 : memref<1x!tpu.dma_semaphore, #tpu.memory_space<semaphore_mem>> -> memref<!tpu.dma_semaphore, #tpu.memory_space<semaphore_mem>>
        tpu.wait_indirect_dma semaphore(%dma_wait3A_269 : memref<!tpu.dma_semaphore, #tpu.memory_space<semaphore_mem>>) src(%dma_wait3A_267 : memref<20000x64xf32, #tpu.memory_space<hbm>>) dst(%dma_wait3A_261 : memref<128x64xf32, #tpu.memory_space<vmem>>)
        %dma_start3A_270 = arith.constant 2 : i32
        %dma_start3A_271 = arith.constant 2 : i32
        %dma_start3A_272 = arith.constant 0 : i32
        %dma_start3A_273 = arith.constant 0 : i32
        %dma_start3A_274 = tpu.memref_slice %arg9[%dma_start3A_270, %dma_start3A_272, %dma_start3A_273] : memref<4x128x64xf32, #tpu.memory_space<vmem>> -> memref<1x128x64xf32, #tpu.memory_space<vmem>>
        %dma_start3A_275 = tpu.memref_squeeze %dma_start3A_274 : memref<1x128x64xf32, #tpu.memory_space<vmem>> -> memref<128x64xf32, #tpu.memory_space<vmem>>
        %dma_start3A_276 = arith.constant 0 : i32
        %dma_start3A_277 = tpu.memref_slice %arg8[%add3A_237, %dma_start3A_276] : memref<157x128xi32, #tpu.memory_space<vmem>> -> memref<1x128xi32, #tpu.memory_space<vmem>>
        %dma_start3A_278 = tpu.memref_squeeze %dma_start3A_277 : memref<1x128xi32, #tpu.memory_space<vmem>> -> memref<128xi32, #tpu.memory_space<vmem>>
        %dma_start3A_279 = arith.constant 0 : i32
        %dma_start3A_280 = arith.constant 0 : i32
        %dma_start3A_281 = tpu.memref_slice %arg11[%dma_start3A_279, %dma_start3A_280] : memref<10000x64xf32, #tpu.memory_space<vmem_shared>> -> memref<10000x64xf32, #tpu.memory_space<vmem_shared>>
        %dma_start3A_282 = tpu.memref_slice %arg13[%dma_start3A_271] : memref<4x!tpu.dma_semaphore, #tpu.memory_space<semaphore_mem>> -> memref<1x!tpu.dma_semaphore, #tpu.memory_space<semaphore_mem>>
        %dma_start3A_283 = tpu.memref_squeeze %dma_start3A_282 : memref<1x!tpu.dma_semaphore, #tpu.memory_space<semaphore_mem>> -> memref<!tpu.dma_semaphore, #tpu.memory_space<semaphore_mem>>
        tpu.enqueue_indirect_dma source(%dma_start3A_275 : memref<128x64xf32, #tpu.memory_space<vmem>>) target(%dma_start3A_281 : memref<10000x64xf32, #tpu.memory_space<vmem_shared>>) offsets(%dma_start3A_278 : memref<128xi32, #tpu.memory_space<vmem>>) semaphore(%dma_start3A_283 : memref<!tpu.dma_semaphore, #tpu.memory_space<semaphore_mem>>) {add = true}
        %get3A = arith.index_cast %add3A_237 : i32 to index
        %get3A_284 = arith.constant 0 : index
        %get3A_285 = tpu.vector_load %arg8[%get3A, %get3A_284] {strides = array<i32>} : memref<157x128xi32, #tpu.memory_space<vmem>>, vector<16xi32>,
        tpu.vector_store_idx %arg10[%get3A_285], %broadcast_in_dim3A_47 {add = true} : memref<10000xf32, #tpu.memory_space<vmem>>[vector<16xi32>], vector<16xf32>,
        %get3A_286 = arith.index_cast %add3A_237 : i32 to index
        %get3A_287 = arith.constant 16 : index
        %get3A_288 = tpu.vector_load %arg8[%get3A_286, %get3A_287] {strides = array<i32>} : memref<157x128xi32, #tpu.memory_space<vmem>>, vector<16xi32>,
        tpu.vector_store_idx %arg10[%get3A_288], %broadcast_in_dim3A_47 {add = true} : memref<10000xf32, #tpu.memory_space<vmem>>[vector<16xi32>], vector<16xf32>,
        %get3A_289 = arith.index_cast %add3A_237 : i32 to index
        %get3A_290 = arith.constant 32 : index
        %get3A_291 = tpu.vector_load %arg8[%get3A_289, %get3A_290] {strides = array<i32>} : memref<157x128xi32, #tpu.memory_space<vmem>>, vector<16xi32>,
        tpu.vector_store_idx %arg10[%get3A_291], %broadcast_in_dim3A_47 {add = true} : memref<10000xf32, #tpu.memory_space<vmem>>[vector<16xi32>], vector<16xf32>,
        %get3A_292 = arith.index_cast %add3A_237 : i32 to index
        %get3A_293 = arith.constant 48 : index
        %get3A_294 = tpu.vector_load %arg8[%get3A_292, %get3A_293] {strides = array<i32>} : memref<157x128xi32, #tpu.memory_space<vmem>>, vector<16xi32>,
        tpu.vector_store_idx %arg10[%get3A_294], %broadcast_in_dim3A_47 {add = true} : memref<10000xf32, #tpu.memory_space<vmem>>[vector<16xi32>], vector<16xf32>,
        %get3A_295 = arith.index_cast %add3A_237 : i32 to index
        %get3A_296 = arith.constant 64 : index
        %get3A_297 = tpu.vector_load %arg8[%get3A_295, %get3A_296] {strides = array<i32>} : memref<157x128xi32, #tpu.memory_space<vmem>>, vector<16xi32>,
        tpu.vector_store_idx %arg10[%get3A_297], %broadcast_in_dim3A_47 {add = true} : memref<10000xf32, #tpu.memory_space<vmem>>[vector<16xi32>], vector<16xf32>,
        %get3A_298 = arith.index_cast %add3A_237 : i32 to index
        %get3A_299 = arith.constant 80 : index
        %get3A_300 = tpu.vector_load %arg8[%get3A_298, %get3A_299] {strides = array<i32>} : memref<157x128xi32, #tpu.memory_space<vmem>>, vector<16xi32>,
        tpu.vector_store_idx %arg10[%get3A_300], %broadcast_in_dim3A_47 {add = true} : memref<10000xf32, #tpu.memory_space<vmem>>[vector<16xi32>], vector<16xf32>,
        %get3A_301 = arith.index_cast %add3A_237 : i32 to index
        %get3A_302 = arith.constant 96 : index
        %get3A_303 = tpu.vector_load %arg8[%get3A_301, %get3A_302] {strides = array<i32>} : memref<157x128xi32, #tpu.memory_space<vmem>>, vector<16xi32>,
        tpu.vector_store_idx %arg10[%get3A_303], %broadcast_in_dim3A_47 {add = true} : memref<10000xf32, #tpu.memory_space<vmem>>[vector<16xi32>], vector<16xf32>,
        %get3A_304 = arith.index_cast %add3A_237 : i32 to index
        %get3A_305 = arith.constant 112 : index
        %get3A_306 = tpu.vector_load %arg8[%get3A_304, %get3A_305] {strides = array<i32>} : memref<157x128xi32, #tpu.memory_space<vmem>>, vector<16xi32>,
        tpu.vector_store_idx %arg10[%get3A_306], %broadcast_in_dim3A_47 {add = true} : memref<10000xf32, #tpu.memory_space<vmem>>[vector<16xi32>], vector<16xf32>,
      } else {
      }
      %mul3A_242 = arith.constant 4 : i32
      %mul3A_243 = arith.muli %while3A_218, %mul3A_242 : i32
      %add3A_244 = arith.constant 3 : i32
      %add3A_245 = arith.addi %mul3A_243, %add3A_244 : i32
      %lt3A_246 = arith.cmpi slt, %add3A_245, %sub3A_44 : i32
      %convert_element_type3A_247 = arith.extui %lt3A_246 : i1 to i32
      %cond3A_248 = arith.constant 0 : i32
      %cond3A_249 = arith.cmpi ne, %convert_element_type3A_247, %cond3A_248 : i32
      scf.if %cond3A_249 {
        %add3A_250 = arith.constant 3 : i32
        %add3A_251 = arith.addi %add3A_245, %add3A_250 : i32
        %lt3A_252 = arith.cmpi slt, %add3A_251, %sub3A_44 : i32
        %convert_element_type3A_253 = arith.extui %lt3A_252 : i1 to i32
        %cond3A_254 = arith.constant 0 : i32
        %cond3A_255 = arith.cmpi ne, %convert_element_type3A_253, %cond3A_254 : i32
        scf.if %cond3A_255 {
          %sub3A_307 = arith.constant 4 : i32
          %sub3A_308 = arith.subi %add3A_251, %sub3A_307 : i32
          %ge3A = arith.constant 0 : i32
          %ge3A_309 = arith.cmpi sge, %sub3A_308, %ge3A : i32
          %convert_element_type3A_310 = arith.extui %ge3A_309 : i1 to i32
          %cond3A_311 = arith.constant 0 : i32
          %cond3A_312 = arith.cmpi ne, %convert_element_type3A_310, %cond3A_311 : i32
          scf.if %cond3A_312 {
            %sub3A_327 = arith.constant 4 : i32
            %sub3A_328 = arith.subi %add3A_251, %sub3A_327 : i32
            %dma_wait3A_329 = arith.constant 2 : i32
            %dma_wait3A_330 = arith.constant 2 : i32
            %dma_wait3A_331 = arith.constant 0 : i32
            %dma_wait3A_332 = arith.constant 0 : i32
            %dma_wait3A_333 = tpu.memref_slice %arg9[%dma_wait3A_329, %dma_wait3A_331, %dma_wait3A_332] : memref<4x128x64xf32, #tpu.memory_space<vmem>> -> memref<1x128x64xf32, #tpu.memory_space<vmem>>
            %dma_wait3A_334 = tpu.memref_squeeze %dma_wait3A_333 : memref<1x128x64xf32, #tpu.memory_space<vmem>> -> memref<128x64xf32, #tpu.memory_space<vmem>>
            %dma_wait3A_335 = arith.constant 0 : i32
            %dma_wait3A_336 = tpu.memref_slice %arg8[%sub3A_328, %dma_wait3A_335] : memref<157x128xi32, #tpu.memory_space<vmem>> -> memref<1x128xi32, #tpu.memory_space<vmem>>
            %dma_wait3A_337 = tpu.memref_squeeze %dma_wait3A_336 : memref<1x128xi32, #tpu.memory_space<vmem>> -> memref<128xi32, #tpu.memory_space<vmem>>
            %dma_wait3A_338 = arith.constant 0 : i32
            %dma_wait3A_339 = arith.constant 0 : i32
            %dma_wait3A_340 = tpu.memref_slice %arg11[%dma_wait3A_338, %dma_wait3A_339] : memref<10000x64xf32, #tpu.memory_space<vmem_shared>> -> memref<10000x64xf32, #tpu.memory_space<vmem_shared>>
            %dma_wait3A_341 = tpu.memref_slice %arg13[%dma_wait3A_330] : memref<4x!tpu.dma_semaphore, #tpu.memory_space<semaphore_mem>> -> memref<1x!tpu.dma_semaphore, #tpu.memory_space<semaphore_mem>>
            %dma_wait3A_342 = tpu.memref_squeeze %dma_wait3A_341 : memref<1x!tpu.dma_semaphore, #tpu.memory_space<semaphore_mem>> -> memref<!tpu.dma_semaphore, #tpu.memory_space<semaphore_mem>>
            tpu.wait_indirect_dma semaphore(%dma_wait3A_342 : memref<!tpu.dma_semaphore, #tpu.memory_space<semaphore_mem>>) src(%dma_wait3A_334 : memref<128x64xf32, #tpu.memory_space<vmem>>) dst(%dma_wait3A_340 : memref<10000x64xf32, #tpu.memory_space<vmem_shared>>)
          } else {
          }
          %dma_start3A_313 = arith.constant 2 : i32
          %dma_start3A_314 = arith.constant 2 : i32
          %dma_start3A_315 = arith.constant 0 : i32
          %dma_start3A_316 = arith.constant 0 : i32
          %dma_start3A_317 = tpu.memref_slice %arg9[%dma_start3A_313, %dma_start3A_315, %dma_start3A_316] : memref<4x128x64xf32, #tpu.memory_space<vmem>> -> memref<1x128x64xf32, #tpu.memory_space<vmem>>
          %dma_start3A_318 = tpu.memref_squeeze %dma_start3A_317 : memref<1x128x64xf32, #tpu.memory_space<vmem>> -> memref<128x64xf32, #tpu.memory_space<vmem>>
          %dma_start3A_319 = arith.constant 0 : i32
          %dma_start3A_320 = tpu.memref_slice %arg7[%add3A_251, %dma_start3A_319] : memref<157x128xi32, #tpu.memory_space<vmem>> -> memref<1x128xi32, #tpu.memory_space<vmem>>
          %dma_start3A_321 = tpu.memref_squeeze %dma_start3A_320 : memref<1x128xi32, #tpu.memory_space<vmem>> -> memref<128xi32, #tpu.memory_space<vmem>>
          %dma_start3A_322 = arith.constant 0 : i32
          %dma_start3A_323 = arith.constant 0 : i32
          %dma_start3A_324 = tpu.memref_slice %arg2[%dma_start3A_322, %dma_start3A_323] : memref<20000x64xf32, #tpu.memory_space<hbm>> -> memref<20000x64xf32, #tpu.memory_space<hbm>>
          %dma_start3A_325 = tpu.memref_slice %arg12[%dma_start3A_314] : memref<4x!tpu.dma_semaphore, #tpu.memory_space<semaphore_mem>> -> memref<1x!tpu.dma_semaphore, #tpu.memory_space<semaphore_mem>>
          %dma_start3A_326 = tpu.memref_squeeze %dma_start3A_325 : memref<1x!tpu.dma_semaphore, #tpu.memory_space<semaphore_mem>> -> memref<!tpu.dma_semaphore, #tpu.memory_space<semaphore_mem>>
          tpu.enqueue_indirect_dma source(%dma_start3A_324 : memref<20000x64xf32, #tpu.memory_space<hbm>>) target(%dma_start3A_318 : memref<128x64xf32, #tpu.memory_space<vmem>>) offsets(%dma_start3A_321 : memref<128xi32, #tpu.memory_space<vmem>>) semaphore(%dma_start3A_326 : memref<!tpu.dma_semaphore, #tpu.memory_space<semaphore_mem>>)
        } else {
        }
        %dma_wait3A_256 = arith.constant 3 : i32
        %dma_wait3A_257 = arith.constant 3 : i32
        %dma_wait3A_258 = arith.constant 0 : i32
        %dma_wait3A_259 = arith.constant 0 : i32
        %dma_wait3A_260 = tpu.memref_slice %arg9[%dma_wait3A_256, %dma_wait3A_258, %dma_wait3A_259] : memref<4x128x64xf32, #tpu.memory_space<vmem>> -> memref<1x128x64xf32, #tpu.memory_space<vmem>>
        %dma_wait3A_261 = tpu.memref_squeeze %dma_wait3A_260 : memref<1x128x64xf32, #tpu.memory_space<vmem>> -> memref<128x64xf32, #tpu.memory_space<vmem>>
        %dma_wait3A_262 = arith.constant 0 : i32
        %dma_wait3A_263 = tpu.memref_slice %arg7[%add3A_245, %dma_wait3A_262] : memref<157x128xi32, #tpu.memory_space<vmem>> -> memref<1x128xi32, #tpu.memory_space<vmem>>
        %dma_wait3A_264 = tpu.memref_squeeze %dma_wait3A_263 : memref<1x128xi32, #tpu.memory_space<vmem>> -> memref<128xi32, #tpu.memory_space<vmem>>
        %dma_wait3A_265 = arith.constant 0 : i32
        %dma_wait3A_266 = arith.constant 0 : i32
        %dma_wait3A_267 = tpu.memref_slice %arg2[%dma_wait3A_265, %dma_wait3A_266] : memref<20000x64xf32, #tpu.memory_space<hbm>> -> memref<20000x64xf32, #tpu.memory_space<hbm>>
        %dma_wait3A_268 = tpu.memref_slice %arg12[%dma_wait3A_257] : memref<4x!tpu.dma_semaphore, #tpu.memory_space<semaphore_mem>> -> memref<1x!tpu.dma_semaphore, #tpu.memory_space<semaphore_mem>>
        %dma_wait3A_269 = tpu.memref_squeeze %dma_wait3A_268 : memref<1x!tpu.dma_semaphore, #tpu.memory_space<semaphore_mem>> -> memref<!tpu.dma_semaphore, #tpu.memory_space<semaphore_mem>>
        tpu.wait_indirect_dma semaphore(%dma_wait3A_269 : memref<!tpu.dma_semaphore, #tpu.memory_space<semaphore_mem>>) src(%dma_wait3A_267 : memref<20000x64xf32, #tpu.memory_space<hbm>>) dst(%dma_wait3A_261 : memref<128x64xf32, #tpu.memory_space<vmem>>)
        %dma_start3A_270 = arith.constant 3 : i32
        %dma_start3A_271 = arith.constant 3 : i32
        %dma_start3A_272 = arith.constant 0 : i32
        %dma_start3A_273 = arith.constant 0 : i32
        %dma_start3A_274 = tpu.memref_slice %arg9[%dma_start3A_270, %dma_start3A_272, %dma_start3A_273] : memref<4x128x64xf32, #tpu.memory_space<vmem>> -> memref<1x128x64xf32, #tpu.memory_space<vmem>>
        %dma_start3A_275 = tpu.memref_squeeze %dma_start3A_274 : memref<1x128x64xf32, #tpu.memory_space<vmem>> -> memref<128x64xf32, #tpu.memory_space<vmem>>
        %dma_start3A_276 = arith.constant 0 : i32
        %dma_start3A_277 = tpu.memref_slice %arg8[%add3A_245, %dma_start3A_276] : memref<157x128xi32, #tpu.memory_space<vmem>> -> memref<1x128xi32, #tpu.memory_space<vmem>>
        %dma_start3A_278 = tpu.memref_squeeze %dma_start3A_277 : memref<1x128xi32, #tpu.memory_space<vmem>> -> memref<128xi32, #tpu.memory_space<vmem>>
        %dma_start3A_279 = arith.constant 0 : i32
        %dma_start3A_280 = arith.constant 0 : i32
        %dma_start3A_281 = tpu.memref_slice %arg11[%dma_start3A_279, %dma_start3A_280] : memref<10000x64xf32, #tpu.memory_space<vmem_shared>> -> memref<10000x64xf32, #tpu.memory_space<vmem_shared>>
        %dma_start3A_282 = tpu.memref_slice %arg13[%dma_start3A_271] : memref<4x!tpu.dma_semaphore, #tpu.memory_space<semaphore_mem>> -> memref<1x!tpu.dma_semaphore, #tpu.memory_space<semaphore_mem>>
        %dma_start3A_283 = tpu.memref_squeeze %dma_start3A_282 : memref<1x!tpu.dma_semaphore, #tpu.memory_space<semaphore_mem>> -> memref<!tpu.dma_semaphore, #tpu.memory_space<semaphore_mem>>
        tpu.enqueue_indirect_dma source(%dma_start3A_275 : memref<128x64xf32, #tpu.memory_space<vmem>>) target(%dma_start3A_281 : memref<10000x64xf32, #tpu.memory_space<vmem_shared>>) offsets(%dma_start3A_278 : memref<128xi32, #tpu.memory_space<vmem>>) semaphore(%dma_start3A_283 : memref<!tpu.dma_semaphore, #tpu.memory_space<semaphore_mem>>) {add = true}
        %get3A = arith.index_cast %add3A_245 : i32 to index
        %get3A_284 = arith.constant 0 : index
        %get3A_285 = tpu.vector_load %arg8[%get3A, %get3A_284] {strides = array<i32>} : memref<157x128xi32, #tpu.memory_space<vmem>>, vector<16xi32>,
        tpu.vector_store_idx %arg10[%get3A_285], %broadcast_in_dim3A_47 {add = true} : memref<10000xf32, #tpu.memory_space<vmem>>[vector<16xi32>], vector<16xf32>,
        %get3A_286 = arith.index_cast %add3A_245 : i32 to index
        %get3A_287 = arith.constant 16 : index
        %get3A_288 = tpu.vector_load %arg8[%get3A_286, %get3A_287] {strides = array<i32>} : memref<157x128xi32, #tpu.memory_space<vmem>>, vector<16xi32>,
        tpu.vector_store_idx %arg10[%get3A_288], %broadcast_in_dim3A_47 {add = true} : memref<10000xf32, #tpu.memory_space<vmem>>[vector<16xi32>], vector<16xf32>,
        %get3A_289 = arith.index_cast %add3A_245 : i32 to index
        %get3A_290 = arith.constant 32 : index
        %get3A_291 = tpu.vector_load %arg8[%get3A_289, %get3A_290] {strides = array<i32>} : memref<157x128xi32, #tpu.memory_space<vmem>>, vector<16xi32>,
        tpu.vector_store_idx %arg10[%get3A_291], %broadcast_in_dim3A_47 {add = true} : memref<10000xf32, #tpu.memory_space<vmem>>[vector<16xi32>], vector<16xf32>,
        %get3A_292 = arith.index_cast %add3A_245 : i32 to index
        %get3A_293 = arith.constant 48 : index
        %get3A_294 = tpu.vector_load %arg8[%get3A_292, %get3A_293] {strides = array<i32>} : memref<157x128xi32, #tpu.memory_space<vmem>>, vector<16xi32>,
        tpu.vector_store_idx %arg10[%get3A_294], %broadcast_in_dim3A_47 {add = true} : memref<10000xf32, #tpu.memory_space<vmem>>[vector<16xi32>], vector<16xf32>,
        %get3A_295 = arith.index_cast %add3A_245 : i32 to index
        %get3A_296 = arith.constant 64 : index
        %get3A_297 = tpu.vector_load %arg8[%get3A_295, %get3A_296] {strides = array<i32>} : memref<157x128xi32, #tpu.memory_space<vmem>>, vector<16xi32>,
        tpu.vector_store_idx %arg10[%get3A_297], %broadcast_in_dim3A_47 {add = true} : memref<10000xf32, #tpu.memory_space<vmem>>[vector<16xi32>], vector<16xf32>,
        %get3A_298 = arith.index_cast %add3A_245 : i32 to index
        %get3A_299 = arith.constant 80 : index
        %get3A_300 = tpu.vector_load %arg8[%get3A_298, %get3A_299] {strides = array<i32>} : memref<157x128xi32, #tpu.memory_space<vmem>>, vector<16xi32>,
        tpu.vector_store_idx %arg10[%get3A_300], %broadcast_in_dim3A_47 {add = true} : memref<10000xf32, #tpu.memory_space<vmem>>[vector<16xi32>], vector<16xf32>,
        %get3A_301 = arith.index_cast %add3A_245 : i32 to index
        %get3A_302 = arith.constant 96 : index
        %get3A_303 = tpu.vector_load %arg8[%get3A_301, %get3A_302] {strides = array<i32>} : memref<157x128xi32, #tpu.memory_space<vmem>>, vector<16xi32>,
        tpu.vector_store_idx %arg10[%get3A_303], %broadcast_in_dim3A_47 {add = true} : memref<10000xf32, #tpu.memory_space<vmem>>[vector<16xi32>], vector<16xf32>,
        %get3A_304 = arith.index_cast %add3A_245 : i32 to index
        %get3A_305 = arith.constant 112 : index
        %get3A_306 = tpu.vector_load %arg8[%get3A_304, %get3A_305] {strides = array<i32>} : memref<157x128xi32, #tpu.memory_space<vmem>>, vector<16xi32>,
        tpu.vector_store_idx %arg10[%get3A_306], %broadcast_in_dim3A_47 {add = true} : memref<10000xf32, #tpu.memory_space<vmem>>[vector<16xi32>], vector<16xf32>,
      } else {
      }
    }
    %dma_wait3A = arith.constant 0 : i32
    %dma_wait3A_156 = arith.constant 0 : i32
    %dma_wait3A_157 = arith.constant 0 : i32
    %dma_wait3A_158 = arith.constant 0 : i32
    %dma_wait3A_159 = arith.constant 0 : i32
    %dma_wait3A_160 = tpu.memref_slice %arg9[%dma_wait3A, %dma_wait3A_158, %dma_wait3A_159] : memref<4x128x64xf32, #tpu.memory_space<vmem>> -> memref<1x128x64xf32, #tpu.memory_space<vmem>>
    %dma_wait3A_161 = tpu.memref_squeeze %dma_wait3A_160 : memref<1x128x64xf32, #tpu.memory_space<vmem>> -> memref<128x64xf32, #tpu.memory_space<vmem>>
    %dma_wait3A_162 = arith.constant 0 : i32
    %dma_wait3A_163 = tpu.memref_slice %arg8[%dma_wait3A_156, %dma_wait3A_162] : memref<157x128xi32, #tpu.memory_space<vmem>> -> memref<1x128xi32, #tpu.memory_space<vmem>>
    %dma_wait3A_164 = tpu.memref_squeeze %dma_wait3A_163 : memref<1x128xi32, #tpu.memory_space<vmem>> -> memref<128xi32, #tpu.memory_space<vmem>>
    %dma_wait3A_165 = arith.constant 0 : i32
    %dma_wait3A_166 = arith.constant 0 : i32
    %dma_wait3A_167 = tpu.memref_slice %arg11[%dma_wait3A_165, %dma_wait3A_166] : memref<10000x64xf32, #tpu.memory_space<vmem_shared>> -> memref<10000x64xf32, #tpu.memory_space<vmem_shared>>
    %dma_wait3A_168 = tpu.memref_slice %arg13[%dma_wait3A_157] : memref<4x!tpu.dma_semaphore, #tpu.memory_space<semaphore_mem>> -> memref<1x!tpu.dma_semaphore, #tpu.memory_space<semaphore_mem>>
    %dma_wait3A_169 = tpu.memref_squeeze %dma_wait3A_168 : memref<1x!tpu.dma_semaphore, #tpu.memory_space<semaphore_mem>> -> memref<!tpu.dma_semaphore, #tpu.memory_space<semaphore_mem>>
    tpu.wait_indirect_dma semaphore(%dma_wait3A_169 : memref<!tpu.dma_semaphore, #tpu.memory_space<semaphore_mem>>) src(%dma_wait3A_161 : memref<128x64xf32, #tpu.memory_space<vmem>>) dst(%dma_wait3A_167 : memref<10000x64xf32, #tpu.memory_space<vmem_shared>>)
    %dma_wait3A_170 = arith.constant 1 : i32
    %dma_wait3A_171 = arith.constant 0 : i32
    %dma_wait3A_172 = arith.constant 1 : i32
    %dma_wait3A_173 = arith.constant 0 : i32
    %dma_wait3A_174 = arith.constant 0 : i32
    %dma_wait3A_175 = tpu.memref_slice %arg9[%dma_wait3A_170, %dma_wait3A_173, %dma_wait3A_174] : memref<4x128x64xf32, #tpu.memory_space<vmem>> -> memref<1x128x64xf32, #tpu.memory_space<vmem>>
    %dma_wait3A_176 = tpu.memref_squeeze %dma_wait3A_175 : memref<1x128x64xf32, #tpu.memory_space<vmem>> -> memref<128x64xf32, #tpu.memory_space<vmem>>
    %dma_wait3A_177 = arith.constant 0 : i32
    %dma_wait3A_178 = tpu.memref_slice %arg8[%dma_wait3A_171, %dma_wait3A_177] : memref<157x128xi32, #tpu.memory_space<vmem>> -> memref<1x128xi32, #tpu.memory_space<vmem>>
    %dma_wait3A_179 = tpu.memref_squeeze %dma_wait3A_178 : memref<1x128xi32, #tpu.memory_space<vmem>> -> memref<128xi32, #tpu.memory_space<vmem>>
    %dma_wait3A_180 = arith.constant 0 : i32
    %dma_wait3A_181 = arith.constant 0 : i32
    %dma_wait3A_182 = tpu.memref_slice %arg11[%dma_wait3A_180, %dma_wait3A_181] : memref<10000x64xf32, #tpu.memory_space<vmem_shared>> -> memref<10000x64xf32, #tpu.memory_space<vmem_shared>>
    %dma_wait3A_183 = tpu.memref_slice %arg13[%dma_wait3A_172] : memref<4x!tpu.dma_semaphore, #tpu.memory_space<semaphore_mem>> -> memref<1x!tpu.dma_semaphore, #tpu.memory_space<semaphore_mem>>
    %dma_wait3A_184 = tpu.memref_squeeze %dma_wait3A_183 : memref<1x!tpu.dma_semaphore, #tpu.memory_space<semaphore_mem>> -> memref<!tpu.dma_semaphore, #tpu.memory_space<semaphore_mem>>
    tpu.wait_indirect_dma semaphore(%dma_wait3A_184 : memref<!tpu.dma_semaphore, #tpu.memory_space<semaphore_mem>>) src(%dma_wait3A_176 : memref<128x64xf32, #tpu.memory_space<vmem>>) dst(%dma_wait3A_182 : memref<10000x64xf32, #tpu.memory_space<vmem_shared>>)
    %dma_wait3A_185 = arith.constant 2 : i32
    %dma_wait3A_186 = arith.constant 0 : i32
    %dma_wait3A_187 = arith.constant 2 : i32
    %dma_wait3A_188 = arith.constant 0 : i32
    %dma_wait3A_189 = arith.constant 0 : i32
    %dma_wait3A_190 = tpu.memref_slice %arg9[%dma_wait3A_185, %dma_wait3A_188, %dma_wait3A_189] : memref<4x128x64xf32, #tpu.memory_space<vmem>> -> memref<1x128x64xf32, #tpu.memory_space<vmem>>
    %dma_wait3A_191 = tpu.memref_squeeze %dma_wait3A_190 : memref<1x128x64xf32, #tpu.memory_space<vmem>> -> memref<128x64xf32, #tpu.memory_space<vmem>>
    %dma_wait3A_192 = arith.constant 0 : i32
    %dma_wait3A_193 = tpu.memref_slice %arg8[%dma_wait3A_186, %dma_wait3A_192] : memref<157x128xi32, #tpu.memory_space<vmem>> -> memref<1x128xi32, #tpu.memory_space<vmem>>
    %dma_wait3A_194 = tpu.memref_squeeze %dma_wait3A_193 : memref<1x128xi32, #tpu.memory_space<vmem>> -> memref<128xi32, #tpu.memory_space<vmem>>
    %dma_wait3A_195 = arith.constant 0 : i32
    %dma_wait3A_196 = arith.constant 0 : i32
    %dma_wait3A_197 = tpu.memref_slice %arg11[%dma_wait3A_195, %dma_wait3A_196] : memref<10000x64xf32, #tpu.memory_space<vmem_shared>> -> memref<10000x64xf32, #tpu.memory_space<vmem_shared>>
    %dma_wait3A_198 = tpu.memref_slice %arg13[%dma_wait3A_187] : memref<4x!tpu.dma_semaphore, #tpu.memory_space<semaphore_mem>> -> memref<1x!tpu.dma_semaphore, #tpu.memory_space<semaphore_mem>>
    %dma_wait3A_199 = tpu.memref_squeeze %dma_wait3A_198 : memref<1x!tpu.dma_semaphore, #tpu.memory_space<semaphore_mem>> -> memref<!tpu.dma_semaphore, #tpu.memory_space<semaphore_mem>>
    tpu.wait_indirect_dma semaphore(%dma_wait3A_199 : memref<!tpu.dma_semaphore, #tpu.memory_space<semaphore_mem>>) src(%dma_wait3A_191 : memref<128x64xf32, #tpu.memory_space<vmem>>) dst(%dma_wait3A_197 : memref<10000x64xf32, #tpu.memory_space<vmem_shared>>)
    %dma_wait3A_200 = arith.constant 3 : i32
    %dma_wait3A_201 = arith.constant 0 : i32
    %dma_wait3A_202 = arith.constant 3 : i32
    %dma_wait3A_203 = arith.constant 0 : i32
    %dma_wait3A_204 = arith.constant 0 : i32
    %dma_wait3A_205 = tpu.memref_slice %arg9[%dma_wait3A_200, %dma_wait3A_203, %dma_wait3A_204] : memref<4x128x64xf32, #tpu.memory_space<vmem>> -> memref<1x128x64xf32, #tpu.memory_space<vmem>>
    %dma_wait3A_206 = tpu.memref_squeeze %dma_wait3A_205 : memref<1x128x64xf32, #tpu.memory_space<vmem>> -> memref<128x64xf32, #tpu.memory_space<vmem>>
    %dma_wait3A_207 = arith.constant 0 : i32
    %dma_wait3A_208 = tpu.memref_slice %arg8[%dma_wait3A_201, %dma_wait3A_207] : memref<157x128xi32, #tpu.memory_space<vmem>> -> memref<1x128xi32, #tpu.memory_space<vmem>>
    %dma_wait3A_209 = tpu.memref_squeeze %dma_wait3A_208 : memref<1x128xi32, #tpu.memory_space<vmem>> -> memref<128xi32, #tpu.memory_space<vmem>>
    %dma_wait3A_210 = arith.constant 0 : i32
    %dma_wait3A_211 = arith.constant 0 : i32
    %dma_wait3A_212 = tpu.memref_slice %arg11[%dma_wait3A_210, %dma_wait3A_211] : memref<10000x64xf32, #tpu.memory_space<vmem_shared>> -> memref<10000x64xf32, #tpu.memory_space<vmem_shared>>
    %dma_wait3A_213 = tpu.memref_slice %arg13[%dma_wait3A_202] : memref<4x!tpu.dma_semaphore, #tpu.memory_space<semaphore_mem>> -> memref<1x!tpu.dma_semaphore, #tpu.memory_space<semaphore_mem>>
    %dma_wait3A_214 = tpu.memref_squeeze %dma_wait3A_213 : memref<1x!tpu.dma_semaphore, #tpu.memory_space<semaphore_mem>> -> memref<!tpu.dma_semaphore, #tpu.memory_space<semaphore_mem>>
    tpu.wait_indirect_dma semaphore(%dma_wait3A_214 : memref<!tpu.dma_semaphore, #tpu.memory_space<semaphore_mem>>) src(%dma_wait3A_206 : memref<128x64xf32, #tpu.memory_space<vmem>>) dst(%dma_wait3A_212 : memref<10000x64xf32, #tpu.memory_space<vmem_shared>>)
    %barrier3A_215 = arith.constant 0 : index
    tpu.barrier barrier_id(%barrier3A_215)
    "tpu.region"() ({
      %run_scoped3A_218 = tpu.sem_alloc : memref<!tpu.dma_semaphore, #tpu.memory_space<semaphore_mem>>
      %dma_start3A_219 = arith.constant 0 : i32
      %dma_start3A_220 = tpu.memref_slice %arg5[%arg0, %mul3A_104, %dma_start3A_219] : memref<2x10000x64xf32, #tpu.memory_space<hbm>> -> memref<1x625x64xf32, #tpu.memory_space<hbm>>
      %dma_start3A_221 = tpu.memref_squeeze %dma_start3A_220 : memref<1x625x64xf32, #tpu.memory_space<hbm>> -> memref<625x64xf32, #tpu.memory_space<hbm>>
      %dma_start3A_222 = arith.constant 0 : i32
      %dma_start3A_223 = tpu.memref_slice %arg11[%mul3A_104, %dma_start3A_222] : memref<10000x64xf32, #tpu.memory_space<vmem_shared>> -> memref<625x64xf32, #tpu.memory_space<vmem_shared>>
      tpu.enqueue_dma source(%dma_start3A_223 : memref<625x64xf32, #tpu.memory_space<vmem_shared>>) target(%dma_start3A_221 : memref<625x64xf32, #tpu.memory_space<hbm>>) target_semaphore(%run_scoped3A_218 : memref<!tpu.dma_semaphore, #tpu.memory_space<semaphore_mem>>)
      %dma_wait3A_224 = arith.constant 0 : i32
      %dma_wait3A_225 = tpu.memref_slice %arg5[%arg0, %mul3A_104, %dma_wait3A_224] : memref<2x10000x64xf32, #tpu.memory_space<hbm>> -> memref<1x625x64xf32, #tpu.memory_space<hbm>>
      %dma_wait3A_226 = tpu.memref_squeeze %dma_wait3A_225 : memref<1x625x64xf32, #tpu.memory_space<hbm>> -> memref<625x64xf32, #tpu.memory_space<hbm>>
      %dma_wait3A_227 = arith.constant 0 : i32
      %dma_wait3A_228 = tpu.memref_slice %arg11[%mul3A_104, %dma_wait3A_227] : memref<10000x64xf32, #tpu.memory_space<vmem_shared>> -> memref<625x64xf32, #tpu.memory_space<vmem_shared>>
      tpu.wait_dma2 semaphore(%run_scoped3A_218 : memref<!tpu.dma_semaphore, #tpu.memory_space<semaphore_mem>>) src(%dma_wait3A_228 : memref<625x64xf32, #tpu.memory_space<vmem_shared>>) dst(%dma_wait3A_226 : memref<625x64xf32, #tpu.memory_space<hbm>>)
      tpu.yield
    }) : () -> ()
    %eq3A = arith.constant 0 : i32
    %eq3A_216 = arith.cmpi eq, %arg0, %eq3A : i32
    %convert_element_type3A = arith.extui %eq3A_216 : i1 to i32
    %cond3A = arith.constant 0 : i32
    %cond3A_217 = arith.cmpi ne, %convert_element_type3A, %cond3A : i32
    scf.if %cond3A_217 {
      "tpu.region"() ({
        %run_scoped3A_218 = tpu.sem_alloc : memref<!tpu.dma_semaphore, #tpu.memory_space<semaphore_mem>>
        %dma_start3A_219 = arith.constant 0 : i32
        %dma_start3A_220 = tpu.memref_slice %arg6[%arg1, %dma_start3A_219] : memref<16x10000xf32, #tpu.memory_space<hbm>> -> memref<1x10000xf32, #tpu.memory_space<hbm>>
        %dma_start3A_221 = tpu.memref_squeeze %dma_start3A_220 : memref<1x10000xf32, #tpu.memory_space<hbm>> -> memref<10000xf32, #tpu.memory_space<hbm>>
        %dma_start3A_222 = arith.constant 0 : i32
        %dma_start3A_223 = tpu.memref_slice %arg6[%arg1, %dma_start3A_222] : memref<16x10000xf32, #tpu.memory_space<hbm>> -> memref<1x10000xf32, #tpu.memory_space<hbm>>
        %dma_start3A_224 = tpu.memref_squeeze %dma_start3A_223 : memref<1x10000xf32, #tpu.memory_space<hbm>> -> memref<10000xf32, #tpu.memory_space<hbm>>
        tpu.enqueue_dma source(%arg10 : memref<10000xf32, #tpu.memory_space<vmem>>) target(%dma_start3A_224 : memref<10000xf32, #tpu.memory_space<hbm>>) target_semaphore(%run_scoped3A_218 : memref<!tpu.dma_semaphore, #tpu.memory_space<semaphore_mem>>)
        %dma_wait3A_225 = arith.constant 0 : i32
        %dma_wait3A_226 = tpu.memref_slice %arg6[%arg1, %dma_wait3A_225] : memref<16x10000xf32, #tpu.memory_space<hbm>> -> memref<1x10000xf32, #tpu.memory_space<hbm>>
        %dma_wait3A_227 = tpu.memref_squeeze %dma_wait3A_226 : memref<1x10000xf32, #tpu.memory_space<hbm>> -> memref<10000xf32, #tpu.memory_space<hbm>>
        %dma_wait3A_228 = arith.constant 0 : i32
        %dma_wait3A_229 = tpu.memref_slice %arg6[%arg1, %dma_wait3A_228] : memref<16x10000xf32, #tpu.memory_space<hbm>> -> memref<1x10000xf32, #tpu.memory_space<hbm>>
        %dma_wait3A_230 = tpu.memref_squeeze %dma_wait3A_229 : memref<1x10000xf32, #tpu.memory_space<hbm>> -> memref<10000xf32, #tpu.memory_space<hbm>>
        tpu.wait_dma2 semaphore(%run_scoped3A_218 : memref<!tpu.dma_semaphore, #tpu.memory_space<semaphore_mem>>) src(%arg10 : memref<10000xf32, #tpu.memory_space<vmem>>) dst(%dma_wait3A_230 : memref<10000xf32, #tpu.memory_space<hbm>>)
        tpu.yield
      }) : () -> ()
    } else {
    }
    return
  }
}

module attributes {stable_mosaic.version = 14 : i64} {
  func.func @_tc_self_body(%arg0: i32, %arg1: memref<2000x128xf32, #tpu.memory_space<vmem>>, %arg2: memref<128x128xf32, #tpu.memory_space<vmem>>, %arg3: memref<1x128xf32, #tpu.memory_space<vmem>>, %arg4: memref<2000x128xf32, #tpu.memory_space<vmem>>) attributes {dimension_semantics = [#tpu.dimension_semantics<arbitrary>], iteration_bounds = array<i64: 5>, scalar_prefetch = 0 : i64, scratch_operands = 0 : i64, tpu.core_type = #tpu.core_type<tc>, window_params = [{transform_indices = @transform_0, window_bounds = array<i64: 2000, 128>}, {pipeline_mode = #tpu.pipeline_mode<synchronous>, transform_indices = @transform_1, window_bounds = array<i64: 128, 128>}, {pipeline_mode = #tpu.pipeline_mode<synchronous>, transform_indices = @transform_2, window_bounds = array<i64: 1, 128>}, {transform_indices = @transform_3, window_bounds = array<i64: 2000, 128>}]} {
    %get3A = arith.constant 0 : index
    %get3A_0 = arith.constant 0 : index
    %get3A_1 = vector.load %arg1[%get3A, %get3A_0] : memref<2000x128xf32, #tpu.memory_space<vmem>>, vector<2000x128xf32>
    %get3A_2 = arith.constant 0 : index
    %get3A_3 = arith.constant 0 : index
    %get3A_4 = vector.load %arg2[%get3A_2, %get3A_3] : memref<128x128xf32, #tpu.memory_space<vmem>>, vector<128x128xf32>
    %dot_general3A = arith.constant dense<0.000000e+00> : vector<2000x128xf32>
    %dot_general3A_5 = tpu.matmul %get3A_1, %get3A_4, %dot_general3A {dimension_numbers = #tpu.dot_dimension_numbers<[1], [1], [0], [0], [0, 0, 1, 0], [], []>, transpose_lhs_hint = false} : vector<2000x128xf32>, vector<128x128xf32>, vector<2000x128xf32> -> vector<2000x128xf32>
    %get3A_6 = arith.constant 0 : index
    %get3A_7 = arith.constant 0 : index
    %get3A_8 = vector.load %arg3[%get3A_6, %get3A_7] : memref<1x128xf32, #tpu.memory_space<vmem>>, vector<1x128xf32>
    %add3A = vector.broadcast %get3A_8 : vector<1x128xf32> to vector<2000x128xf32>
    %add3A_9 = arith.addf %dot_general3A_5, %add3A : vector<2000x128xf32>
    %swap3A = arith.constant 0 : index
    %swap3A_10 = arith.constant 0 : index
    %swap3A_11 = vector.load %arg4[%swap3A, %swap3A_10] : memref<2000x128xf32, #tpu.memory_space<vmem>>, vector<2000x128xf32>
    tpu.vector_store %arg4[%swap3A, %swap3A_10], %add3A_9 {strides = array<i32>} : memref<2000x128xf32, #tpu.memory_space<vmem>>, vector<2000x128xf32>,
    return
  }
  func.func @transform_0(%arg0: i32) -> (i32, i32) {
    %c0_i32 = arith.constant 0 : i32
    %c0_i32_0 = arith.constant 0 : i32
    return %arg0, %c0_i32 : i32, i32
  }
  func.func @transform_1(%arg0: i32) -> (i32, i32) {
    %c0_i32 = arith.constant 0 : i32
    %c0_i32_0 = arith.constant 0 : i32
    %c0_i32_1 = arith.constant 0 : i32
    return %c0_i32, %c0_i32_0 : i32, i32
  }
  func.func @transform_2(%arg0: i32) -> (i32, i32) {
    %c0_i32 = arith.constant 0 : i32
    %c0_i32_0 = arith.constant 0 : i32
    %c0_i32_1 = arith.constant 0 : i32
    return %c0_i32, %c0_i32_0 : i32, i32
  }
  func.func @transform_3(%arg0: i32) -> (i32, i32) {
    %c0_i32 = arith.constant 0 : i32
    %c0_i32_0 = arith.constant 0 : i32
    return %arg0, %c0_i32 : i32, i32
  }
}

module attributes {stable_mosaic.version = 14 : i64} {
  func.func @_tc_finish_body(%arg0: i32, %arg1: memref<2x2000x64xf32, #tpu.memory_space<vmem>>, %arg2: memref<2000x16xf32, #tpu.memory_space<vmem>>, %arg3: memref<2000x128xf32, #tpu.memory_space<vmem>>, %arg4: memref<128x128xf32, #tpu.memory_space<vmem>>, %arg5: memref<2000x128xf32, #tpu.memory_space<vmem>>) attributes {dimension_semantics = [#tpu.dimension_semantics<arbitrary>], iteration_bounds = array<i64: 5>, scalar_prefetch = 0 : i64, scratch_operands = 0 : i64, tpu.core_type = #tpu.core_type<tc>, window_params = [{transform_indices = @transform_0, window_bounds = array<i64: 2, 2000, 64>}, {transform_indices = @transform_1, window_bounds = array<i64: 2000, 16>}, {transform_indices = @transform_2, window_bounds = array<i64: 2000, 128>}, {pipeline_mode = #tpu.pipeline_mode<synchronous>, transform_indices = @transform_3, window_bounds = array<i64: 128, 128>}, {transform_indices = @transform_4, window_bounds = array<i64: 2000, 128>}]} {
    %get3A = arith.constant 0 : index
    %get3A_0 = arith.constant 0 : index
    %get3A_1 = arith.constant 0 : index
    %get3A_2 = vector.load %arg1[%get3A, %get3A_0, %get3A_1] : memref<2x2000x64xf32, #tpu.memory_space<vmem>>, vector<1x2000x64xf32>
    %get3A_3 = vector.shape_cast %get3A_2 : vector<1x2000x64xf32> to vector<2000x64xf32>
    %get3A_4 = arith.constant 1 : index
    %get3A_5 = arith.constant 0 : index
    %get3A_6 = arith.constant 0 : index
    %get3A_7 = vector.load %arg1[%get3A_4, %get3A_5, %get3A_6] : memref<2x2000x64xf32, #tpu.memory_space<vmem>>, vector<1x2000x64xf32>
    %get3A_8 = vector.shape_cast %get3A_7 : vector<1x2000x64xf32> to vector<2000x64xf32>
    %concatenate3A = tpu.concatenate %get3A_3, %get3A_8 in 1 : vector<2000x64xf32>, vector<2000x64xf32> -> vector<2000x128xf32>
    %get3A_9 = arith.constant 0 : index
    %get3A_10 = arith.constant 0 : index
    %get3A_11 = vector.load %arg2[%get3A_9, %get3A_10] : memref<2000x16xf32, #tpu.memory_space<vmem>>, vector<2000x16xf32>
    %reduce_sum3A = arith.constant dense<0.000000e+00> : vector<2000xf32>
    %reduce_sum3A_12 = vector.multi_reduction <add>, %get3A_11, %reduce_sum3A [1] : vector<2000x16xf32> to vector<2000xf32>
    %broadcast_in_dim3A = vector.shape_cast %reduce_sum3A_12 : vector<2000xf32> to vector<2000x1xf32>
    %max3A = arith.constant 1.000000e+00 : f32
    %max3A_13 = vector.broadcast %max3A : f32 to vector<2000x1xf32>
    %max3A_14 = arith.maximumf %broadcast_in_dim3A, %max3A_13 : vector<2000x1xf32>
    %div3A = vector.broadcast %max3A_14 : vector<2000x1xf32> to vector<2000x128xf32>
    %div3A_15 = arith.divf %concatenate3A, %div3A : vector<2000x128xf32>
    %get3A_16 = arith.constant 0 : index
    %get3A_17 = arith.constant 0 : index
    %get3A_18 = vector.load %arg4[%get3A_16, %get3A_17] : memref<128x128xf32, #tpu.memory_space<vmem>>, vector<128x128xf32>
    %dot_general3A = arith.constant dense<0.000000e+00> : vector<2000x128xf32>
    %dot_general3A_19 = tpu.matmul %div3A_15, %get3A_18, %dot_general3A {dimension_numbers = #tpu.dot_dimension_numbers<[1], [1], [0], [0], [0, 0, 1, 0], [], []>, transpose_lhs_hint = false} : vector<2000x128xf32>, vector<128x128xf32>, vector<2000x128xf32> -> vector<2000x128xf32>
    %get3A_20 = arith.constant 0 : index
    %get3A_21 = arith.constant 0 : index
    %get3A_22 = vector.load %arg3[%get3A_20, %get3A_21] : memref<2000x128xf32, #tpu.memory_space<vmem>>, vector<2000x128xf32>
    %add3A = arith.addf %dot_general3A_19, %get3A_22 : vector<2000x128xf32>
    %swap3A = arith.constant 0 : index
    %swap3A_23 = arith.constant 0 : index
    %swap3A_24 = vector.load %arg5[%swap3A, %swap3A_23] : memref<2000x128xf32, #tpu.memory_space<vmem>>, vector<2000x128xf32>
    tpu.vector_store %arg5[%swap3A, %swap3A_23], %add3A {strides = array<i32>} : memref<2000x128xf32, #tpu.memory_space<vmem>>, vector<2000x128xf32>,
    return
  }
  func.func @transform_0(%arg0: i32) -> (i32, i32, i32) {
    %c0_i32 = arith.constant 0 : i32
    %c0_i32_0 = arith.constant 0 : i32
    %c0_i32_1 = arith.constant 0 : i32
    return %c0_i32, %arg0, %c0_i32_0 : i32, i32, i32
  }
  func.func @transform_1(%arg0: i32) -> (i32, i32) {
    %c0_i32 = arith.constant 0 : i32
    %c0_i32_0 = arith.constant 0 : i32
    return %arg0, %c0_i32 : i32, i32
  }
  func.func @transform_2(%arg0: i32) -> (i32, i32) {
    %c0_i32 = arith.constant 0 : i32
    %c0_i32_0 = arith.constant 0 : i32
    return %arg0, %c0_i32 : i32, i32
  }
  func.func @transform_3(%arg0: i32) -> (i32, i32) {
    %c0_i32 = arith.constant 0 : i32
    %c0_i32_0 = arith.constant 0 : i32
    %c0_i32_1 = arith.constant 0 : i32
    return %c0_i32, %c0_i32_0 : i32, i32
  }
  func.func @transform_4(%arg0: i32) -> (i32, i32) {
    %c0_i32 = arith.constant 0 : i32
    %c0_i32_0 = arith.constant 0 : i32
    return %arg0, %c0_i32 : i32, i32
  }
}

</mosaic_0001>

<sc_bundles>
// kernel: kernel.5.cloned.1.call-start
scs
__scs_entry_jumppad:
0x0: {  	(pc) =	sbr.rel $0x88, $3  }
0x1: {  	(tag) =	ssettag $0x0;
	lr =	simm.s32 $0x1  }
0x2: {  	[smem:$0x3F9C] =	sst lr;
	_ =	strace $0xD0000000  }
0x3: {  	_ = 	snop  }
0x4: {  	_ = 	snop  }
0x5: {  	_ = 	snop  }
0x6: {  	_ = 	snop  }
0x7: {  	_ = 	snop  }
__scs_overlays_trampoline_lowered:
0x8: {  	[smem:$0x3FAB] =	sst s0  }
0x9: {  	[smem:$0x3FAC] =	sst s1  }
0xa: {  	[smem:$0x3FAD] =	sst s2  }
0xb: {  	[smem:$0x3FAE] =	sst s3  }
0xc: {  	[smem:$0x3FAF] =	sst s4  }
0xd: {  	[smem:$0x3FB0] =	sst s5  }
0xe: {  	[smem:$0x3FB1] =	sst s6  }
0xf: {  	[smem:$0x3FB2] =	sst s7  }
0x10: {  	[smem:$0x3FB3] =	sst s8  }
0x11: {  	[smem:$0x3FB4] =	sst s9;
	s0 =	simm.s32 @!p0 $0x0  }
0x12: {  	s1 =	sld [smem:$0x3F9A];
	s0 =	simm.s32 @p0 $0x1  }
0x13: {  	[smem:$0x3FB5] =	sst s0;
	s0 =	simm.s32 @!p1 $0x0  }
0x14: {  	s2 =	sld [smem:$0x3F99];
	s0 =	simm.s32 @p1 $0x1  }
0x15: {  	[smem:$0x3FB6] =	sst s0;
	s0 =	simm.s32 @!p2 $0x0  }
0x16: {  	s3 =	sld [smem:$0x3FDB];
	s0 =	simm.s32 @p2 $0x1  }
0x17: {  	s4 =	simm.s32 $0x1BF5;
	[smem:$0x3FB8] =	sst s0  }
0x18: {  	s0 =	sld [smem:$0x3F9B];
	_ =	swait.ge [sflag:s4], $0x0  }
0x19: {  	s7 =	sld [smem:$0x3F9C]  }
0x1a: {  	s8 =	sadd.s32 $0xFFFFE003, lr  }
0x1b: {  	s9 =	sadd.s32 $0xFFFFFEF7, lr;
	s5 =	simm.s32 $0xFFFFFFFF;
	p2 =	slt.u32 s8, $0xFFFFF086  }
0x1c: {  	p1 =	slt.u32 s9, $0xF7A;
	s5 =	simm.s32 @!p2 $0x0  }
0x1d: {  	s5 =	simm.s32 @p1 $0x1;
	p0 =	seq.s32 s7, s2  }
0x1e: {  	s7 =	smul.u32 @!p0 $0xF7A, s2;
	p2 =	seq.s32 @!p0 s5, $0x0  }
0x1f: {  	s9 =	smul.u32 $0xF7A, s1;
	s8 =	simm.s32 @!p0 $0x1BF5;
	p2 =	por !p2, p0  }
0x20: {  	[sflag:s8] =	ssyncset.s32 @!p0 $0xFFFFF086;
	s6 =	sadd.s32 @!p0 s3, s7;
	s7 =	simm.s32 @!p0 $0x108  }
0x21: {  	s3 =	sadd.s32 s3, s9;
	s6 =	sadd.s32 @!p0 $0x88, s6;
	s7 =	simm.s32 @p2 $0x1082  }
0x22: {  	[simem:s7], [sflag:s8] =	dma.local @!p0 [hbm:s6], $0xF7A  }
0x23: {  	s9 =	sor.u32 $0xD0000000, s2;
	s6 =	simm.s32 $0x108;
	_ =	swait.ge @!p0 [sflag:s8], $0x0  }
0x24: {  	s3 =	sadd.s32 $0x88, s3;
	s6 =	simm.s32 @!p1 $0x1082;
	[sflag:s4] =	ssyncset.s32 $0xFFFFF086  }
0x25: {  	[simem:s6], [sflag:s4] =	dma.local [hbm:s3], $0xF7A  }
0x26: {  	[smem:$0x3F9C] =	sst s1;
	(tag) =	ssettag s2;
	_ =	strace s9  }
0x27: {  	s1 =	sld [smem:$0x3FAC]  }
0x28: {  	s2 =	sld [smem:$0x3FAD]  }
0x29: {  	s4 =	sld [smem:$0x3FAF]  }
0x2a: {  	p0 =	seq.s32 s5, $0x0;
	s5 =	sld [smem:$0x3FB0]  }
0x2b: {  	s6 =	sld [smem:$0x3FB1]  }
0x2c: {  	s7 =	sld [smem:$0x3FB2]  }
0x2d: {  	s3 =	simm.s32 $0x108;
	s8 =	sld [smem:$0x3FB3]  }
0x2e: {  	s3 =	simm.s32 @!p0 $0x1082;
	s9 =	sld [smem:$0x3FB4]  }
0x2f: {  	lr =	sadd.s32 s0, s3;
	s0 =	sld [smem:$0x3FAB]  }
0x30: {  	s3 =	sld [smem:$0x3FAE]  }
0x31: {  	[smem:$0x3FB7] =	sst s10  }
0x32: {  	s10 =	sld [smem:$0x3FB5];
	_ =	sdelay $0x3  }
0x33: {  	p0 =	seq.s32 s10, $0x1;
	s10 =	sld [smem:$0x3FB7];
	_ =	sdelay $0x3  }
0x34: {  	[smem:$0x3FB7] =	sst s10  }
0x35: {  	s10 =	sld [smem:$0x3FB6];
	_ =	sdelay $0x3  }
0x36: {  	p1 =	seq.s32 s10, $0x1;
	s10 =	sld [smem:$0x3FB7];
	_ =	sdelay $0x3  }
0x37: {  	[smem:$0x3FB7] =	sst s10  }
0x38: {  	s10 =	sld [smem:$0x3FB8]  }
0x39: {  	_ = 	snop;
	(pc) =	sbr.ind lr, $3  }
0x3a: {  	_ = 	snop  }
0x3b: {  	_ = 	snop  }
0x3c: {  	p2 =	seq.s32 s10, $0x1;
	s10 =	sld [smem:$0x3FB7]  }
0x3d: {  	_ =	shalt  }
0x3e: {  	_ =	shalt  }
0x3f: {  	_ =	shalt  }
0x40: {  	_ =	shalt  }
0x41: {  	_ =	shalt  }
0x42: {  	_ =	shalt  }
0x43: {  	_ =	shalt  }
0x44: {  	_ =	shalt  }
0x45: {  	_ =	shalt  }
0x46: {  	_ =	shalt  }
0x47: {  	_ =	shalt  }
0x48: {  	_ =	shalt  }
0x49: {  	_ =	shalt  }
0x4a: {  	_ =	shalt  }
0x4b: {  	_ =	shalt  }
0x4c: {  	_ =	shalt  }
0x4d: {  	_ =	shalt  }
0x4e: {  	_ =	shalt  }
0x4f: {  	_ =	shalt  }
0x50: {  	_ =	shalt  }
0x51: {  	_ =	shalt  }
0x52: {  	_ =	shalt  }
0x53: {  	_ =	shalt  }
0x54: {  	_ =	shalt  }
0x55: {  	_ =	shalt  }
0x56: {  	_ =	shalt  }
0x57: {  	_ =	shalt  }
0x58: {  	_ =	shalt  }
0x59: {  	_ =	shalt  }
0x5a: {  	_ =	shalt  }
0x5b: {  	_ =	shalt  }
0x5c: {  	_ =	shalt  }
0x5d: {  	_ =	shalt  }
0x5e: {  	_ =	shalt  }
0x5f: {  	_ =	shalt  }
0x60: {  	_ =	shalt  }
0x61: {  	_ =	shalt  }
0x62: {  	_ =	shalt  }
0x63: {  	_ =	shalt  }
0x64: {  	_ =	shalt  }
0x65: {  	_ =	shalt  }
0x66: {  	_ =	shalt  }
0x67: {  	_ =	shalt  }
0x68: {  	_ =	shalt  }
0x69: {  	_ =	shalt  }
0x6a: {  	_ =	shalt  }
0x6b: {  	_ =	shalt  }
0x6c: {  	_ =	shalt  }
0x6d: {  	_ =	shalt  }
0x6e: {  	_ =	shalt  }
0x6f: {  	_ =	shalt  }
0x70: {  	_ =	shalt  }
0x71: {  	_ =	shalt  }
0x72: {  	_ =	shalt  }
0x73: {  	_ =	shalt  }
0x74: {  	_ =	shalt  }
0x75: {  	_ =	shalt  }
0x76: {  	_ =	shalt  }
0x77: {  	_ =	shalt  }
0x78: {  	_ =	shalt  }
0x79: {  	_ =	shalt  }
0x7a: {  	_ =	shalt  }
0x7b: {  	_ =	shalt  }
0x7c: {  	_ =	shalt  }
0x7d: {  	_ =	shalt  }
0x7e: {  	_ =	shalt  }
0x7f: {  	_ =	shalt  }
0x80: {  	_ =	shalt  }
0x81: {  	_ =	shalt  }
0x82: {  	_ =	shalt  }
0x83: {  	_ =	shalt  }
0x84: {  	_ =	shalt  }
0x85: {  	_ =	shalt  }
0x86: {  	_ =	shalt  }
0x87: {  	_ =	shalt  }
.Lfunc_end0:
.L_simem_size_0:
called_computation_lowered:
.L_overlay_start_0:
0x88: {  	s2 =	sld [smem:$0x3FD9]  }
0x89: {  	s3 =	sld [smem:$0x3FFE];
	_ =	sdelay $0x1  }
0x8a: {  	s1 =	srdreg.scid  }
0x8b: {  	s0 =	sand.u32 $0x1, s1  }
0x8c: {  	s17 =	sshll.u32 s0, $0xA;
	s2 =	sadd.s32 s3, s2  }
0x8d: {  	s2 =	sadd.s32 s2, s17  }
0x8e: {  	[smem:$0x3FC3] =	sst s2  }
0x8f: {  	_ = 	snop  }
0x90: {  	s2 =	sld [smem:$0x3FC9]  }
0x91: {  	s18 =	sld [smem:$0x3FD0];
	(tm) =	ssettm $0x1  }
0x92: {  	s4 =	sld [smem:$0x3FFB];
	_ =	sdelay $0x3  }
0x93: {  	_ =	strace s4  }
0x94: {  	s4 =	sld [smem:$0x3FFC];
	_ =	sdelay $0x3  }
0x95: {  	_ =	strace s4  }
0x96: {  	s4 =	sld [smem:$0x3FFD];
	_ =	sdelay $0x3  }
0x97: {  	_ =	strace s4  }
0x98: {  	_ =	strace $0x8FFFFFFF  }
0x99: {  	s19 =	sld [smem:$0x3FDB];
	_ =	sdelay $0x1  }
0x9a: {  	s5 =	simm.s32 $_scs_section_size  }
0x9b: {  	s6 =	simm.s32 $_size__tile_overlayer_lowered;
	s7 =	simm.s32 $_tile_overlayer_lowered  }
0x9c: {  	s22 =	simm.s32 $0x1BFF;
	s21 =	sshll.u32 s7, $0x1;
	s4 =	sadd.s32 s5, s19  }
0x9d: {  	s8 =	simm.s32 $0x0;
	s20 =	sshll.u32 s6, $0x1;
	s6 =	sadd.s32 s21, s4  }
0x9e: {  	[timem:s8], [sflag:s22] =	dma.local [hbm:s6], s20  }
0x9f: {  	_ =	swait.ge [sflag:s22], s20  }
0xa0: {  	s5 =	ssub.s32 $0x0, s20;
	[sflag:s22] =	ssyncset.done $0x0  }
0xa1: {  	[sflag:s22] =	ssyncadd.s32 s5;
	_ =	sdelay $0x1  }
0xa2: {  	s23 =	simm.s32 $0x1B8B  }
0xa3: {  	_ =	swait.ge [sflag:s23], $0x1  }
0xa4: {  	[sflag:s23] =	ssyncset.done $0x0  }
0xa5: {  	s25 =	simm.s32 $0x1B8E;
	s24 =	sld [smem:$0x3FFE];
	[sflag:s23] =	ssyncadd.s32 $0xFFFFFFFF  }
0xa6: {  	s26 =	simm.s32 $execute0_lowered;
	[smem:$0x3FD2] =	sst s25  }
0xa7: {  	s6 =	sshll.u32 s26, $0x1;
	_ =	strace $0x80000046;
	[dreg:$0x1] =	wrdreg $0xFFFFFFFF  }
0xa8: {  	s28 =	simm.s32 $_size_execute0_lowered;
	s4 =	sadd.s32 s4, s6;
	[dreg:$0x0] =	wrdreg $0x0  }
0xa9: {  	s6 =	sshll.u32 s28, $0x1;
	[dreg:$0x2] =	wrdreg s4  }
0xaa: {  	[dreg:$0x3] =	wrdreg s6  }
0xab: {  	[dreg:$0x4] =	wrdreg $0xC0  }
0xac: {  	_ =	task [dreg:s8], $0x5FFFF  }
0xad: {  	[dreg:$0x1] =	wrdreg $0xFFFFFFFF  }
0xae: {  	[dreg:$0x0] =	wrdreg $0x60  }
0xaf: {  	[dreg:$0x2] =	wrdreg s2  }
0xb0: {  	[dreg:$0x3] =	wrdreg s24  }
0xb1: {  	[dreg:$0x4] =	wrdreg s18  }
0xb2: {  	[dreg:$0x5] =	wrdreg $0x144100  }
0xb3: {  	[dreg:$0x6] =	wrdreg $0x9  }
0xb4: {  	_ =	task.clear_ibuf [dreg:s8], $0x7FFFF;
	_ =	strace $0x90000046  }
0xb5: {  	s29 =	simm.s32 $0x9;
	_ =	strace $0x80000048  }
0xb6: {  	_ =	swait.ge [sflag:s29], $0x1  }
0xb7: {  	[sflag:s29] =	ssyncadd.s32 $0xFFFFFFFF  }
0xb8: {  	_ =	strace $0x90000048  }
0xb9: {  	_ =	sfence  }
0xba: {  	s30 =	sld [smem:$0x0];
	_ =	sdelay $0x2  }
0xbb: {  	s31 =	sshll.u32 s1, $0xD;
	s1 =	sshrl.u32 s1, $0x2  }
0xbc: {  	s3 =	sand.u32 $0x4000, s31;
	s1 =	sadd.s32 s1, s30  }
0xbd: {  	s0 =	sor.u32 s3, s0;
	s1 =	sshll.u32 s1, $0x11  }
0xbe: {  	s0 =	sor.u32 s1, s0  }
0xbf: {  	s0 =	sadd.s32 $0x8F2B, s0  }
0xc0: {  	[sflag:s0] =	ssyncadd.remote.s32 $0x1  }
0xc1: {  	_ =	sfence.sel $0xFFFF  }
0xc2: {  	[dreg:$0x0] =	wrdreg $0xFFFFFFFF;
	(pc) =	sbr.abs _section_cstart, $3  }
0xc3: {  	[dreg:$0x1] =	wrdreg $0xFFFFFFFF  }
0xc4: {  	_ =	task.clear_ibuf [dreg:s8], $0x2FFFF;
	_ =	strace $0x9FFFFFFF  }
0xc5: {  	(tm) =	ssettm $0x7FFFFFFF  }
tec
execute0_lowered:
.L_overlay_start_1:
0x0: {  	(tag) =	ssettag $0x1  }
0x1: {  	s1 =	rddreg [dreg:$0x0]  }
0x2: {  	s11 =	stileid.u32;
	s6 =	rddreg [dreg:$0x1]  }
0x3: {  	s0 =	srdreg.scid;
	s13 =	rddreg [dreg:$0x2]  }
0x4: {  	s3 =	rddreg [dreg:$0x3];
	s5 =	smul.u32 $0x9C4, s11  }
0x5: {  	s4 =	simm.s32 $0x0;
	s19 =	simm.s32 $0x80;
	s22 =	smul.u32 $0x4E2, s11  }
0x6: {  	s28 =	simm.s32 $0x7;
	s29 =	simm.s32 $0x8;
	s10 =	smul.u32 $0x27100, s11  }
0x7: {  	s2 =	sand.u32 $0x1, s0;
	[smem:$0x7FF] =	sst s4;
	s12 =	smul.u32 $0x9C40, s11  }
0x8: {  	s30 =	simm.s32 $0x0;
	s7 =	smul.u32 $0x4E200, s2;
	_ =	strace $0x80000047  }
0x9: {  	s23 =	ssub.s32 $0x2, s2;
	s26 =	smul.u32 $0x9C400, s2;
	s21 =	sshrl.u32 s5, $0x4  }
0xa: {  	s9 =	sand.u32 $0xFFF0, s5;
	s15 =	sadd.s32 s22, s6;
	s24 =	sshrl.u32 s23, $0x1  }
0xb: {  	s5 =	sadd.s32 $0x9C4, s5;
	s25 =	sshrl.u32 s10, $0x2;
	s8 =	sshll.u32 s21, $0x7  }
0xc: {  	s9 =	sadd.s32 s9, s6;
	s16 =	ssub.s32 s23, s24;
	s5 =	sshrl.u32 s5, $0x4  }
0xd: {  	s0 =	sadd.s32 s25, s3;
	s15 =	sadd.s32 $0x1E800, s15;
	s23 =	simm.s32 $0xDD00  }
0xe: {  	s24 =	simm.s32 $0xFD00;
	s25 =	simm.s32 $0x5;
	s7 =	sadd.s32 s7, s8  }
0xf: {  	s5 =	ssub.s32 s5, s21;
	s8 =	sadd.s32 s12, s3;
	s10 =	sadd.s32 $0x4000, s0  }
0x10: {  	s11 =	sadd.s32 $0x6000, s0;
	s16 =	smax.u32 s16, $0x1;
	s7 =	sshrl.u32 s7, $0x3  }
0x11: {  	s14 =	sadd.s32 $0x3, s5;
	p0 =	slt.s32 s5, $0xFFFFFFFE;
	s7 =	sadd.s32 s7, s6  }
0x12: {  	s17 =	sshrl.u32 s14, $0x1D;
	s18 =	sand.u32 $0x3, s14;
	s6 =	sadd.s32 $0xAE00, s7  }
0x13: {  	s7 =	sadd.s32 $0x1000, s9;
	s9 =	sadd.s32 $0x2000, s0;
	s17 =	sand.u32 $0x3, s17  }
0x14: {  	p1 =	sne.s32 s18, $0x0;
	s18 =	simm.s32 $0x1;
	s14 =	sadd.s32 s17, s14  }
.Ltmp0:
0x15: {  	p0 =	por !p0, !p1;
	s17 =	sadd.s32 s12, s26;
	(pc) =	sbr.rel .LBB2_1-.Ltmp0, $4  }
0x16: {  	s12 =	sadd.s32 $0x8000, s0;
	s14 =	sshll.u32 s14, $0x10;
	p0 =	por !p0, !p0  }
0x17: {  	p1 =	sne.s32 s2, $0x0;
	s14 =	sshra.s32 s14, $0x12;
	s18 =	simm.s32 @!p0 $0x0  }
0x18: {  	s26 =	simm.s32 $0x6;
	s31 =	sshrl.u32 s17, $0x3;
	s0 =	ssub.s32 s14, s18  }
0x19: {  	v0 =	vimm.f32 $0.0e+00;
	s17 =	simm.s32 $0x9;
	s14 =	sadd.s32 s13, s31;
	p0 =	slt.s32 s0, $0x1  }
.LBB2_7:
0x1a: {  	_ =	swait.ge [sflag:s25], $0x2000  }
0x1b: {  	[sflag:s25] =	ssyncset.done $0x0  }
0x1c: {  	[sflag:s25] =	ssyncadd.s32 $0xFFFFE000  }
0x1d: {  	_ =	swait.ge [sflag:s26], $0x2000  }
0x1e: {  	[sflag:s26] =	ssyncset.done $0x0  }
0x1f: {  	[sflag:s26] =	ssyncadd.s32 $0xFFFFE000  }
0x20: {  	_ =	swait.ge [sflag:s28], $0x2000  }
0x21: {  	[sflag:s28] =	ssyncset.done $0x0  }
0x22: {  	[sflag:s28] =	ssyncadd.s32 $0xFFFFE000  }
0x23: {  	_ =	swait.ge [sflag:s29], $0x2000  }
0x24: {  	s2 =	stileid.u32;
	[sflag:s29] =	ssyncset.done $0x0  }
0x25: {  	s2 =	sshll.u32 s2, $0x6;
	[sflag:s29] =	ssyncadd.s32 $0xFFFFE000  }
0x26: {  	s13 =	sshrl.u32 s8, $0x3;
	s2 =	sor.u32 $0x1C09, s2;
	[bflag:$0x0] =	sbarrier.arrive $0xFFFF  }
0x27: {  	[hbm:s14], [sflag:s2] =	dma.local [spmem:s13], $0x1388  }
0x28: {  	s30 =	sadd.s32 $0x1, s30;
	_ =	swait.ge [sflag:s17], $0x1388  }
0x29: {  	p2 =	sne.s32 s30, s16;
	[sflag:s17] =	ssyncset.done $0x0  }
0x2a: {  	s2 =	simm.s32 @!p1 $0x0;
	s13 =	simm.s32 @!p1 $0x11D00;
	[sflag:s17] =	ssyncadd.s32 $0xFFFFEC78  }
0x2b: {  	[hbm4b:s15+s2] =	stream.linear.scatter @!p1 [tilespmem:s13], [sflag:$0x9], $0x2710, $0x38;
	[tilespmem:$0x1E050] =	vst v63  }
.Ltmp1:
0x2c: {  	_ = 	snop;
	(pc) =	sbr.rel @!p2 .LBB2_8-.Ltmp1, $4  }
0x2d: {  	s2 =	simm.s32 @!p1 $0x9  }
0x2e: {  	_ =	swait.ge @!p1 [sflag:s2], $0x2710  }
0x2f: {  	[sflag:s2] =	ssyncset.done @!p1 $0x0  }
0x30: {  	[sflag:s2] =	ssyncadd.s32 @!p1 $0xFFFFD8F0  }
.LBB2_1:
0x31: {  	[tilespmem:s4], [sflag:$0x9] =	stream.linear.gather [hbm4b:s6+s4], $0x4E80, $0x38;
	[tilespmem:$0x1E050] =	vst v63  }
0x32: {  	_ =	swait.ge [sflag:s17], $0x4E80  }
0x33: {  	[sflag:s17] =	ssyncset.done $0x0  }
0x34: {  	s2 =	simm.s32 $0x4E80;
	[sflag:s17] =	ssyncadd.s32 $0xFFFFB180  }
0x35: {  	[tilespmem:s2], [sflag:$0x9] =	stream.linear.gather [hbm4b:s7+s4], $0x4E80, $0x38;
	[tilespmem:$0x1E050] =	vst v63  }
0x36: {  	_ =	swait.ge [sflag:s17], $0x4E80  }
0x37: {  	[sflag:s17] =	ssyncset.done $0x0  }
0x38: {  	s21 =	simm.s32 $0x9D00;
	[sflag:s17] =	ssyncadd.s32 $0xFFFFB180  }
0x39: {  	[tilespmem:s21], [sflag:$0x1] =	stream.indirect.gather [hbm4b:s1+s19], $0x40, s4, s19, $0xb8;
	[tilespmem:$0x1E050] =	vst v63  }
0x3a: {  	s22 =	simm.s32 $0xBD00  }
0x3b: {  	[tilespmem:s22], [sflag:$0x2] =	stream.indirect.gather [hbm4b:s1+s19], $0x40, s19, s19, $0xb8;
	[tilespmem:$0x1E050] =	vst v63  }
0x3c: {  	s31 =	simm.s32 $0x100;
	s2 =	simm.s32 $0x0  }
0x3d: {  	[tilespmem:s23], [sflag:$0x3] =	stream.indirect.gather [hbm4b:s1+s19], $0x40, s31, s19, $0xb8;
	[tilespmem:$0x1E050] =	vst v63  }
.LBB2_2:
0x3e: {  	p2 =	sne.s32 s2, $0x9C00  }
.Ltmp2:
0x3f: {  	_ = 	snop;
	(pc) =	sbr.rel @p2 .LBB2_2-.Ltmp2, $3  }
0x40: {  	_ =	sdelay $0x1  }
0x41: {  	s13 =	sshra.s32 s2, $0x2  }
0x42: {  	s2 =	sadd.s32 $0x40, s2;
	[tilespmem:s13+$0x11D00] =	vst v0  }
0x43: {  	s2 =	simm.s32 $0x0  }
0x44: {  	s13 =	sand.u32 $0x7F00, s2  }
0x45: {  	s31 =	sand.u32 $0x30, s2;
	s18 =	sshrl.u32 s13, $0x2  }
0x46: {  	s13 =	simm.s32 $0x40;
	s31 =	sor.u32 s31, s18  }
.LBB2_4:
0x47: {  	p2 =	sne.s32 s13, $0x7FC0  }
0x48: {  	[tilespmem:s31+$0xFD00] =	vst v0;
	s2 =	sadd.s32 $0x10, s2;
	s18 =	smov.u32 s13;
	s13 =	sadd.s32 $0x40, s13  }
.Ltmp3:
0x49: {  	(pc) =	sbr.rel @p2 .LBB2_4-.Ltmp3, $4  }
0x4a: {  	_ = 	snop  }
0x4b: {  	s18 =	sand.u32 $0x7F00, s18  }
0x4c: {  	s31 =	sand.u32 $0x30, s2;
	s18 =	sshrl.u32 s18, $0x2  }
0x4d: {  	s31 =	sor.u32 s31, s18  }
0x4e: {  	[tilespmem:s31+$0xFD00] =	vst v0  }
0x4f: {  	[spmem:s8] =	stream.linear.scatter [tilespmem:s24], [sflag:$0x9], $0x2000, $0x38;
	[tilespmem:$0x1E050] =	vst v63  }
0x50: {  	_ =	swait.ge [sflag:s17], $0x2000  }
0x51: {  	[sflag:s17] =	ssyncset.done $0x0  }
0x52: {  	[sflag:s17] =	ssyncadd.s32 $0xFFFFE000  }
0x53: {  	[spmem:s9] =	stream.linear.scatter [tilespmem:s24], [sflag:$0x9], $0x2000, $0x38;
	[tilespmem:$0x1E050] =	vst v63  }
0x54: {  	_ =	swait.ge [sflag:s17], $0x2000  }
0x55: {  	[sflag:s17] =	ssyncset.done $0x0  }
0x56: {  	[sflag:s17] =	ssyncadd.s32 $0xFFFFE000  }
0x57: {  	[spmem:s10] =	stream.linear.scatter [tilespmem:s24], [sflag:$0x9], $0x2000, $0x38;
	[tilespmem:$0x1E050] =	vst v63  }
0x58: {  	_ =	swait.ge [sflag:s17], $0x2000  }
0x59: {  	[sflag:s17] =	ssyncset.done $0x0  }
0x5a: {  	[sflag:s17] =	ssyncadd.s32 $0xFFFFE000  }
0x5b: {  	[spmem:s11] =	stream.linear.scatter [tilespmem:s24], [sflag:$0x9], $0x2000, $0x38;
	[tilespmem:$0x1E050] =	vst v63  }
0x5c: {  	_ =	swait.ge [sflag:s17], $0x2000  }
0x5d: {  	[sflag:s17] =	ssyncset.done $0x0  }
0x5e: {  	[sflag:s17] =	ssyncadd.s32 $0xFFFFE000  }
0x5f: {  	[spmem:s12] =	stream.linear.scatter [tilespmem:s24], [sflag:$0x9], $0x1C40, $0x38;
	[tilespmem:$0x1E050] =	vst v63  }
.Ltmp4:
0x60: {  	_ =	swait.ge [sflag:s17], $0x1C40;
	(pc) =	sbr.rel @p0 .LBB2_7-.Ltmp4, $4  }
0x61: {  	[sflag:s17] =	ssyncset.done $0x0  }
0x62: {  	[sflag:s17] =	ssyncadd.s32 $0xFFFFE3C0  }
0x63: {  	[bflag:$0x0] =	sbarrier.arrive $0xFFFF  }
0x64: {  	s31 =	simm.s32 $0x0;
	s2 =	simm.s32 $0x0;
	s13 =	smov.u32 s0  }
.LBB2_6:
0x65: {  	p2 =	sge.s32 s2, s5  }
0x66: {  	s18 =	sadd.s32 @!p2 $0x3, s2  }
0x67: {  	p3 =	sge.s32 @!p2 s18, s5  }
0x68: {  	p4 =	por p3, p2  }
0x69: {  	p5 =	slt.s32 @!p4 s2, $0x4  }
0x6a: {  	p3 =	por @!p2 p5, p3  }
0x6b: {  	p3 =	por p3, p2  }
0x6c: {  	s18 =	simm.s32 @!p3 $0x8  }
0x6d: {  	_ =	swait.ge @!p3 [sflag:s18], $0x2000  }
0x6e: {  	[sflag:s18] =	ssyncset.done @!p3 $0x0  }
0x6f: {  	[sflag:s18] =	ssyncadd.s32 @!p3 $0xFFFFE000;
	s18 =	sshra.s32 @!p4 s31, $0x2  }
0x70: {  	s20 =	simm.s32 @!p4 $0x80;
	s21 =	simm.s32 @!p4 $0xFD00;
	s18 =	sadd.s32 @!p4 $0x180, s18  }
0x71: {  	[tilespmem:s21], [sflag:$0x4] =	stream.indirect.gather @!p4 [hbm4b:s1+s20], $0x40, s18, s20, $0xb8;
	[tilespmem:$0x1E050] =	vst v63  }
0x72: {  	s18 =	simm.s32 @!p2 $0x1  }
0x73: {  	_ =	swait.ge @!p2 [sflag:s18], $0x2000  }
0x74: {  	[sflag:s18] =	ssyncset.done @!p2 $0x0  }
0x75: {  	[sflag:s18] =	ssyncadd.s32 @!p2 $0xFFFFE000;
	s18 =	sshra.s32 @!p2 s31, $0x2  }
0x76: {  	s22 =	simm.s32 @!p2 $0x9D00;
	s21 =	simm.s32 @!p2 $0x80;
	s20 =	sadd.s32 @!p2 $0x4E80, s18  }
0x77: {  	[spmem:s3] =	stream.indirect.scatter.add.f32 @!p2 [tilespmem:s22], [sflag:$0x5], $0x40, s20, s21, $0xb8;
	[tilespmem:$0x1E050] =	vst v63  }
0x78: {  	v1 =	vld @!p2 [tilespmem:s18+$0x4E80];
	_ =	sdelay $0x6  }
0x79: {  	v2 =	vimm.f32 @!p2 $1.000000000e+00;
	s20 =	simm.s32 @!p2 $0x11D00  }
0x7a: {  	[tilespmem:v1+s20+$0x0] =	vst.idx.add.f32.msk @!p2 $0xffff, v2  }
0x7b: {  	v1 =	vld @!p2 [tilespmem:s18+$0x4E90];
	_ =	sdelay $0x7  }
0x7c: {  	[tilespmem:v1+s20+$0x0] =	vst.idx.add.f32.msk @!p2 $0xffff, v2  }
0x7d: {  	v1 =	vld @!p2 [tilespmem:s18+$0x4EA0];
	_ =	sdelay $0x7  }
0x7e: {  	[tilespmem:v1+s20+$0x0] =	vst.idx.add.f32.msk @!p2 $0xffff, v2  }
0x7f: {  	v1 =	vld @!p2 [tilespmem:s18+$0x4EB0];
	_ =	sdelay $0x7  }
0x80: {  	[tilespmem:v1+s20+$0x0] =	vst.idx.add.f32.msk @!p2 $0xffff, v2  }
0x81: {  	v1 =	vld @!p2 [tilespmem:s18+$0x4EC0];
	_ =	sdelay $0x7  }
0x82: {  	[tilespmem:v1+s20+$0x0] =	vst.idx.add.f32.msk @!p2 $0xffff, v2  }
0x83: {  	v1 =	vld @!p2 [tilespmem:s18+$0x4ED0];
	_ =	sdelay $0x7  }
0x84: {  	[tilespmem:v1+s20+$0x0] =	vst.idx.add.f32.msk @!p2 $0xffff, v2  }
0x85: {  	v1 =	vld @!p2 [tilespmem:s18+$0x4EE0];
	_ =	sdelay $0x7  }
0x86: {  	[tilespmem:v1+s20+$0x0] =	vst.idx.add.f32.msk @!p2 $0xffff, v2  }
0x87: {  	v1 =	vld @!p2 [tilespmem:s18+$0x4EF0];
	_ =	sdelay $0x2  }
0x88: {  	s22 =	sadd.s32 $0x1, s2  }
0x89: {  	p3 =	sge.s32 s22, s5  }
0x8a: {  	s18 =	sadd.s32 @!p3 $0x4, s2  }
0x8b: {  	p4 =	sge.s32 @!p3 s18, s5  }
0x8c: {  	p4 =	por p4, p3  }
0x8d: {  	s18 =	simm.s32 @!p4 $0x5;
	[tilespmem:v1+s20+$0x0] =	vst.idx.add.f32.msk @!p2 $0xffff, v2  }
0x8e: {  	_ =	swait.ge @!p4 [sflag:s18], $0x2000  }
0x8f: {  	[sflag:s18] =	ssyncset.done @!p4 $0x0  }
0x90: {  	[sflag:s18] =	ssyncadd.s32 @!p4 $0xFFFFE000;
	s18 =	sshra.s32 @!p4 s31, $0x2  }
0x91: {  	s21 =	simm.s32 @!p4 $0x9D00;
	s20 =	simm.s32 @!p4 $0x80;
	s18 =	sadd.s32 @!p4 $0x200, s18  }
0x92: {  	[tilespmem:s21], [sflag:$0x1] =	stream.indirect.gather @!p4 [hbm4b:s1+s20], $0x40, s18, s20, $0xb8;
	[tilespmem:$0x1E050] =	vst v63  }
0x93: {  	s18 =	simm.s32 @!p3 $0x2  }
0x94: {  	_ =	swait.ge @!p3 [sflag:s18], $0x2000  }
0x95: {  	[sflag:s18] =	ssyncset.done @!p3 $0x0  }
0x96: {  	[sflag:s18] =	ssyncadd.s32 @!p3 $0xFFFFE000;
	s18 =	sshra.s32 @!p3 s31, $0x2  }
0x97: {  	s22 =	simm.s32 @!p3 $0xBD00;
	s21 =	simm.s32 @!p3 $0x80;
	s20 =	sadd.s32 @!p3 $0x4F00, s18  }
0x98: {  	[spmem:s3] =	stream.indirect.scatter.add.f32 @!p3 [tilespmem:s22], [sflag:$0x6], $0x40, s20, s21, $0xb8;
	[tilespmem:$0x1E050] =	vst v63  }
0x99: {  	v1 =	vld @!p3 [tilespmem:s18+$0x4F00];
	_ =	sdelay $0x6  }
0x9a: {  	v2 =	vimm.f32 @!p3 $1.000000000e+00;
	s20 =	simm.s32 @!p3 $0x11D00  }
0x9b: {  	[tilespmem:v1+s20+$0x0] =	vst.idx.add.f32.msk @!p3 $0xffff, v2  }
0x9c: {  	v1 =	vld @!p3 [tilespmem:s18+$0x4F10];
	_ =	sdelay $0x7  }
0x9d: {  	[tilespmem:v1+s20+$0x0] =	vst.idx.add.f32.msk @!p3 $0xffff, v2  }
0x9e: {  	v1 =	vld @!p3 [tilespmem:s18+$0x4F20];
	_ =	sdelay $0x7  }
0x9f: {  	[tilespmem:v1+s20+$0x0] =	vst.idx.add.f32.msk @!p3 $0xffff, v2  }
0xa0: {  	v1 =	vld @!p3 [tilespmem:s18+$0x4F30];
	_ =	sdelay $0x7  }
0xa1: {  	[tilespmem:v1+s20+$0x0] =	vst.idx.add.f32.msk @!p3 $0xffff, v2  }
0xa2: {  	v1 =	vld @!p3 [tilespmem:s18+$0x4F40];
	_ =	sdelay $0x7  }
0xa3: {  	[tilespmem:v1+s20+$0x0] =	vst.idx.add.f32.msk @!p3 $0xffff, v2  }
0xa4: {  	v1 =	vld @!p3 [tilespmem:s18+$0x4F50];
	_ =	sdelay $0x7  }
0xa5: {  	[tilespmem:v1+s20+$0x0] =	vst.idx.add.f32.msk @!p3 $0xffff, v2  }
0xa6: {  	v1 =	vld @!p3 [tilespmem:s18+$0x4F60];
	_ =	sdelay $0x7  }
0xa7: {  	[tilespmem:v1+s20+$0x0] =	vst.idx.add.f32.msk @!p3 $0xffff, v2  }
0xa8: {  	v1 =	vld @!p3 [tilespmem:s18+$0x4F70];
	_ =	sdelay $0x2  }
0xa9: {  	s21 =	sadd.s32 $0x2, s2  }
0xaa: {  	p2 =	sge.s32 s21, s5  }
0xab: {  	s18 =	sadd.s32 @!p2 $0x5, s2  }
0xac: {  	p4 =	sge.s32 @!p2 s18, s5  }
0xad: {  	p4 =	por p4, p2  }
0xae: {  	s18 =	simm.s32 @!p4 $0x6;
	[tilespmem:v1+s20+$0x0] =	vst.idx.add.f32.msk @!p3 $0xffff, v2  }
0xaf: {  	_ =	swait.ge @!p4 [sflag:s18], $0x2000  }
0xb0: {  	[sflag:s18] =	ssyncset.done @!p4 $0x0  }
0xb1: {  	[sflag:s18] =	ssyncadd.s32 @!p4 $0xFFFFE000;
	s18 =	sshra.s32 @!p4 s31, $0x2  }
0xb2: {  	s21 =	simm.s32 @!p4 $0xBD00;
	s20 =	simm.s32 @!p4 $0x80;
	s18 =	sadd.s32 @!p4 $0x280, s18  }
0xb3: {  	[tilespmem:s21], [sflag:$0x2] =	stream.indirect.gather @!p4 [hbm4b:s1+s20], $0x40, s18, s20, $0xb8;
	[tilespmem:$0x1E050] =	vst v63  }
0xb4: {  	s18 =	simm.s32 @!p2 $0x3  }
0xb5: {  	_ =	swait.ge @!p2 [sflag:s18], $0x2000  }
0xb6: {  	[sflag:s18] =	ssyncset.done @!p2 $0x0  }
0xb7: {  	[sflag:s18] =	ssyncadd.s32 @!p2 $0xFFFFE000;
	s18 =	sshra.s32 @!p2 s31, $0x2  }
0xb8: {  	s22 =	simm.s32 @!p2 $0xDD00;
	s21 =	simm.s32 @!p2 $0x80;
	s20 =	sadd.s32 @!p2 $0x4F80, s18  }
0xb9: {  	[spmem:s3] =	stream.indirect.scatter.add.f32 @!p2 [tilespmem:s22], [sflag:$0x7], $0x40, s20, s21, $0xb8;
	[tilespmem:$0x1E050] =	vst v63  }
0xba: {  	v1 =	vld @!p2 [tilespmem:s18+$0x4F80];
	_ =	sdelay $0x6  }
0xbb: {  	v2 =	vimm.f32 @!p2 $1.000000000e+00;
	s20 =	simm.s32 @!p2 $0x11D00  }
0xbc: {  	[tilespmem:v1+s20+$0x0] =	vst.idx.add.f32.msk @!p2 $0xffff, v2  }
0xbd: {  	v1 =	vld @!p2 [tilespmem:s18+$0x4F90];
	_ =	sdelay $0x7  }
0xbe: {  	[tilespmem:v1+s20+$0x0] =	vst.idx.add.f32.msk @!p2 $0xffff, v2  }
0xbf: {  	v1 =	vld @!p2 [tilespmem:s18+$0x4FA0];
	_ =	sdelay $0x7  }
0xc0: {  	[tilespmem:v1+s20+$0x0] =	vst.idx.add.f32.msk @!p2 $0xffff, v2  }
0xc1: {  	v1 =	vld @!p2 [tilespmem:s18+$0x4FB0];
	_ =	sdelay $0x7  }
0xc2: {  	[tilespmem:v1+s20+$0x0] =	vst.idx.add.f32.msk @!p2 $0xffff, v2  }
0xc3: {  	v1 =	vld @!p2 [tilespmem:s18+$0x4FC0];
	_ =	sdelay $0x7  }
0xc4: {  	[tilespmem:v1+s20+$0x0] =	vst.idx.add.f32.msk @!p2 $0xffff, v2  }
0xc5: {  	v1 =	vld @!p2 [tilespmem:s18+$0x4FD0];
	_ =	sdelay $0x7  }
0xc6: {  	[tilespmem:v1+s20+$0x0] =	vst.idx.add.f32.msk @!p2 $0xffff, v2  }
0xc7: {  	v1 =	vld @!p2 [tilespmem:s18+$0x4FE0];
	_ =	sdelay $0x7  }
0xc8: {  	[tilespmem:v1+s20+$0x0] =	vst.idx.add.f32.msk @!p2 $0xffff, v2  }
0xc9: {  	v1 =	vld @!p2 [tilespmem:s18+$0x4FF0];
	_ =	sdelay $0x2  }
0xca: {  	s22 =	sadd.s32 $0x3, s2  }
0xcb: {  	p3 =	sge.s32 s22, s5  }
0xcc: {  	s18 =	sadd.s32 @!p3 $0x6, s2  }
0xcd: {  	p4 =	sge.s32 @!p3 s18, s5  }
0xce: {  	p4 =	por p4, p3  }
0xcf: {  	s18 =	simm.s32 @!p4 $0x7;
	[tilespmem:v1+s20+$0x0] =	vst.idx.add.f32.msk @!p2 $0xffff, v2  }
0xd0: {  	_ =	swait.ge @!p4 [sflag:s18], $0x2000  }
0xd1: {  	[sflag:s18] =	ssyncset.done @!p4 $0x0  }
0xd2: {  	[sflag:s18] =	ssyncadd.s32 @!p4 $0xFFFFE000;
	s18 =	sshra.s32 @!p4 s31, $0x2  }
0xd3: {  	s21 =	simm.s32 @!p4 $0xDD00;
	s20 =	simm.s32 @!p4 $0x80;
	s18 =	sadd.s32 @!p4 $0x300, s18  }
0xd4: {  	[tilespmem:s21], [sflag:$0x3] =	stream.indirect.gather @!p4 [hbm4b:s1+s20], $0x40, s18, s20, $0xb8;
	[tilespmem:$0x1E050] =	vst v63  }
0xd5: {  	s18 =	simm.s32 @!p3 $0x4  }
0xd6: {  	_ =	swait.ge @!p3 [sflag:s18], $0x2000  }
0xd7: {  	[sflag:s18] =	ssyncset.done @!p3 $0x0  }
0xd8: {  	[sflag:s18] =	ssyncadd.s32 @!p3 $0xFFFFE000;
	s18 =	sshra.s32 @!p3 s31, $0x2  }
0xd9: {  	s22 =	simm.s32 @!p3 $0xFD00;
	s21 =	simm.s32 @!p3 $0x80;
	s20 =	sadd.s32 @!p3 $0x5000, s18  }
0xda: {  	[spmem:s3] =	stream.indirect.scatter.add.f32 @!p3 [tilespmem:s22], [sflag:$0x8], $0x40, s20, s21, $0xb8;
	[tilespmem:$0x1E050] =	vst v63  }
0xdb: {  	v1 =	vld @!p3 [tilespmem:s18+$0x5000];
	_ =	sdelay $0x6  }
0xdc: {  	v2 =	vimm.f32 @!p3 $1.000000000e+00;
	s20 =	simm.s32 @!p3 $0x11D00  }
0xdd: {  	[tilespmem:v1+s20+$0x0] =	vst.idx.add.f32.msk @!p3 $0xffff, v2  }
0xde: {  	v1 =	vld @!p3 [tilespmem:s18+$0x5010];
	_ =	sdelay $0x7  }
0xdf: {  	[tilespmem:v1+s20+$0x0] =	vst.idx.add.f32.msk @!p3 $0xffff, v2  }
0xe0: {  	v1 =	vld @!p3 [tilespmem:s18+$0x5020];
	_ =	sdelay $0x7  }
0xe1: {  	[tilespmem:v1+s20+$0x0] =	vst.idx.add.f32.msk @!p3 $0xffff, v2  }
0xe2: {  	v1 =	vld @!p3 [tilespmem:s18+$0x5030];
	_ =	sdelay $0x7  }
0xe3: {  	[tilespmem:v1+s20+$0x0] =	vst.idx.add.f32.msk @!p3 $0xffff, v2  }
0xe4: {  	v1 =	vld @!p3 [tilespmem:s18+$0x5040];
	_ =	sdelay $0x7  }
0xe5: {  	[tilespmem:v1+s20+$0x0] =	vst.idx.add.f32.msk @!p3 $0xffff, v2  }
0xe6: {  	v1 =	vld @!p3 [tilespmem:s18+$0x5050];
	_ =	sdelay $0x7  }
0xe7: {  	[tilespmem:v1+s20+$0x0] =	vst.idx.add.f32.msk @!p3 $0xffff, v2  }
0xe8: {  	v1 =	vld @!p3 [tilespmem:s18+$0x5060];
	_ =	sdelay $0x7  }
0xe9: {  	[tilespmem:v1+s20+$0x0] =	vst.idx.add.f32.msk @!p3 $0xffff, v2  }
0xea: {  	v1 =	vld @!p3 [tilespmem:s18+$0x5070];
	_ =	sdelay $0x1  }
0xeb: {  	s13 =	sadd.s32 $0xFFFFFFFF, s13  }
0xec: {  	p2 =	sne.s32 s13, $0x0  }
.Ltmp5:
0xed: {  	_ = 	snop;
	(pc) =	sbr.rel @p2 .LBB2_6-.Ltmp5, $2  }
0xee: {  	_ =	sdelay $0x2  }
0xef: {  	s2 =	sadd.s32 $0x4, s2;
	s31 =	sadd.s32 $0x800, s31;
	[tilespmem:v1+s20+$0x0] =	vst.idx.add.f32.msk @!p3 $0xffff, v2  }
.Ltmp6:
0xf0: {  	_ = 	snop;
	(pc) =	sbr.rel .LBB2_7-.Ltmp6, $1  }
0xf1: {  	_ =	sdelay $0x3  }
.LBB2_8:
0xf2: {  	_ =	sfence.sel $0x180000  }
0xf3: {  	[bflag:$0x0] =	sbarrier.arrive $0xFFFF  }
0xf4: {  	_ =	strace $0x90000047  }
0xf5: {  	s0 =	stileid.u32;
	[bflag:$0x2] =	sbarrier.arrive $0xFFFF  }
0xf6: {  	p0 =	sne.s32 s0, $0x0;
	s0 =	rddreg [dreg:$0x4]  }
0xf7: {  	s0 =	sadd.s32 @!p0 $0x100000, s0  }
0xf8: {  	[sflag:s0] =	ssyncadd.tile.s32 @!p0 $0x1;
	_ =	shalt  }
.Lfunc_end2:
_tile_overlayer_lowered:
.L_overlay_start_2:
0xf9: {  	(tag) =	ssettag $0x2  }
0xfa: {  	s0 =	rddreg [dreg:$0x0];
	s2 =	stileid.u32  }
0xfb: {  	s1 =	rddreg [dreg:$0x1];
	p0 =	sne.s32 s2, $0x0  }
0xfc: {  	s3 =	rddreg [dreg:$0x2];
	[bflag:$0x3] =	sbarrier.arrive $0xFFFF;
	s2 =	simm.s32 @!p0 $0x1C09  }
0xfd: {  	[timem:s3], [sflag:s2] =	dma.local @!p0 [hbm:s0], s1  }
0xfe: {  	s0 =	simm.s32 @!p0 $0x9  }
0xff: {  	_ =	swait.ge @!p0 [sflag:s0], s1  }
0x100: {  	s1 =	ssub.s32 @!p0 $0x0, s1;
	[sflag:s0] =	ssyncset.done @!p0 $0x0  }
0x101: {  	[sflag:s0] =	ssyncadd.s32 @!p0 s1  }
0x102: {  	[bflag:$0x3] =	sbarrier.arrive $0xFFFF  }
0x103: {  	_ =	shalt  }

</sc_bundles>
